<compile_context>
chip_gen: v7x
topology: tpu7x:2x2x1
jax: 0.10.2.dev20260603
libtpu: 0.0.44.dev20260713+nightly
codegen_flags: <defaults>
</compile_context>

<pallas_src>
import functools

import jax
import jax.numpy as jnp
from jax import lax
from jax.experimental import pallas as pl
from jax.experimental.pallas import tpu as pltpu
from jax.experimental.pallas import tpu_sc as plsc

_VOCAB = 100000
_EMB = 128
_HID = 128
_CTX = 200

_VT = 25600
_NT = -(-_VOCAB // _VT)
_TAIL = _VOCAB - (_NT - 1) * _VT
_FULL = 16
_NFULL = _CTX // _FULL
_REM = _CTX - _NFULL * _FULL
_NW = _NFULL + 1


def _sc_sum_rows(rows_v, acc_v, n):
    for ch in range(_EMB // 16):
        v = rows_v.at[0][pl.ds(ch * 16, 16)]
        for r in range(1, n):
            v = v + rows_v.at[r][pl.ds(ch * 16, 16)]
        acc_v[0, pl.ds(ch * 16, 16)] = v


def _sc_gather_body(idx_hbm, emb_hbm, out_hbm, idx_v, rows_v, acc_v, sem):
    wid = lax.axis_index("s")

    @pl.when(wid < _NFULL)
    def _():
        pltpu.sync_copy(idx_hbm.at[pl.ds(wid * _FULL, _FULL)], idx_v)
        pltpu.async_copy(emb_hbm.at[idx_v], rows_v, sem).wait()
        _sc_sum_rows(rows_v, acc_v, _FULL)

    @pl.when(wid == _NFULL)
    def _():
        pltpu.sync_copy(idx_hbm.at[pl.ds(_NFULL * _FULL, _REM)],
                        idx_v.at[pl.ds(0, _REM)])
        pltpu.async_copy(emb_hbm.at[idx_v.at[pl.ds(0, _REM)]],
                         rows_v.at[pl.ds(0, _REM)], sem).wait()
        _sc_sum_rows(rows_v, acc_v, _REM)

    @pl.when(wid <= _NFULL)
    def _():
        pltpu.sync_copy(acc_v, out_hbm.at[pl.ds(wid, 1)])


_sc_gather = functools.partial(
    pl.kernel,
    out_type=jax.ShapeDtypeStruct((_NW, _EMB), jnp.float32),
    mesh=plsc.VectorSubcoreMesh(
        core_axis_name="c", subcore_axis_name="s", num_cores=1),
    scratch_types=[
        pltpu.VMEM((_FULL,), jnp.int32),
        pltpu.VMEM((_FULL, _EMB), jnp.float32),
        pltpu.VMEM((1, _EMB), jnp.float32),
        pltpu.SemaphoreType.DMA,
    ],
)(_sc_gather_body)


def _main_body(parts_ref, w1_ref, b1_ref, w2_ref, b2_ref,
               out_ref, h_ref, m_ref, s_ref):
    i = pl.program_id(0)

    @pl.when(i == 0)
    def _():
        embeds = jnp.sum(parts_ref[...], axis=0, keepdims=True)
        pre = lax.dot_general(
            embeds, w1_ref[...], (((1,), (1,)), ((), ())),
            preferred_element_type=jnp.float32) + b1_ref[...].reshape(1, _HID)
        h_ref[...] = jnp.maximum(pre, 0.0)
        m_ref[0] = -jnp.inf
        s_ref[0] = 0.0

    logits = lax.dot_general(
        h_ref[...], w2_ref[...], (((1,), (1,)), ((), ())),
        preferred_element_type=jnp.float32) + b2_ref[...].reshape(1, _VT)

    @pl.when(i < _NT - 1)
    def _():
        out_ref[:, pl.ds(pl.multiple_of(i * _VT, _VT), _VT)] = logits

    @pl.when(i == _NT - 1)
    def _():
        out_ref[:, pl.ds(_VOCAB - _TAIL, _TAIL)] = logits[:, :_TAIL]

    lane = lax.broadcasted_iota(jnp.int32, (1, _VT), 1)
    valid = (i * _VT + lane) < _VOCAB
    logits_m = jnp.where(valid, logits, -jnp.inf)

    tile_max = jnp.max(logits_m)
    m_old = m_ref[0]
    m_new = jnp.maximum(m_old, tile_max)
    s_ref[0] = s_ref[0] * jnp.exp(m_old - m_new) + jnp.sum(
        jnp.where(valid, jnp.exp(logits_m - m_new), 0.0))
    m_ref[0] = m_new

    @pl.when(i == _NT - 1)
    def _():
        lse = m_new + jnp.log(s_ref[0])
        out_ref[...] = out_ref[...] - lse


def kernel(inputs, emb, W1, b1, W2, b2):
    idx = inputs.astype(jnp.int32)
    parts = _sc_gather(idx, emb)

    log_probs = pl.pallas_call(
        _main_body,
        grid=(_NT,),
        in_specs=[
            pl.BlockSpec((_NW, _EMB), lambda i: (0, 0)),
            pl.BlockSpec((_HID, _EMB), lambda i: (0, 0)),
            pl.BlockSpec((_HID,), lambda i: (0,)),
            pl.BlockSpec((_VT, _HID), lambda i: (i, 0)),
            pl.BlockSpec((_VT,), lambda i: (i,)),
        ],
        out_specs=pl.BlockSpec((1, _VOCAB), lambda i: (0, 0)),
        out_shape=jax.ShapeDtypeStruct((1, _VOCAB), jnp.float32),
        scratch_shapes=[
            pltpu.VMEM((1, _HID), jnp.float32),
            pltpu.SMEM((1,), jnp.float32),
            pltpu.SMEM((1,), jnp.float32),
        ],
    )(parts, W1, b1, W2, b2)

    return log_probs

# --- scband reference (transcript-rebuilt; emitter-appended) ---
"""Pipeline reference for scband-cbow-21715354649780 (READ-ONLY COPY).

The authoritative reference and input builder live on the scoring server;
editing this copy changes nothing except your own understanding.
"""

import jax, jax.numpy as jnp
import numpy as np

VOCAB = 100000
EMB = 128
HID = 128
CTX = 200

def setup_inputs(seed: int = 0) -> dict:
    key = jax.random.key(seed)
    k1, k2, k3, k4, k5, k6 = jax.random.split(key, 6)
    inputs = jax.random.randint(k1, (CTX,), 0, VOCAB, dtype=jnp.int64) if jax.config.jax_enable_x64 else jax.random.randint(k1, (CTX,), 0, VOCAB, dtype=jnp.int32)
    emb = jax.random.normal(k2, (VOCAB, EMB), dtype=jnp.float32)
    W1 = jax.random.normal(k3, (HID, EMB), dtype=jnp.float32) * (1.0 / np.sqrt(EMB))
    b1 = jax.random.normal(k4, (HID,), dtype=jnp.float32) * 0.01
    W2 = jax.random.normal(k5, (VOCAB, HID), dtype=jnp.float32) * (1.0 / np.sqrt(HID))
    b2 = jax.random.normal(k6, (VOCAB,), dtype=jnp.float32) * 0.01
    return {"inputs": inputs, "emb": emb, "W1": W1, "b1": b1, "W2": W2, "b2": b2}

def reference(inputs, emb, W1, b1, W2, b2):
    # embeds = sum(self.embeddings(inputs)).view((1, -1))
    gathered = jnp.take(emb, inputs, axis=0)          # [CTX, EMB]
    embeds = jnp.sum(gathered, axis=0).reshape(1, -1)  # [1, EMB]
    # out = F.relu(self.linear1(embeds))
    h = jax.nn.relu(embeds @ W1.T + b1)                 # [1, HID]
    # out = self.linear2(out)
    logits = h @ W2.T + b2                              # [1, VOCAB]
    # log_probs = F.log_softmax(out, dim=1)
    log_probs = logits - jax.scipy.special.logsumexp(logits, axis=1, keepdims=True)
    return log_probs

if __name__ == "__main__":
    import jax
    _d = setup_inputs()
    print(jax.jit(kernel)(*tuple(_d.values())))

</pallas_src>

<mosaic_0001>
#map = affine_map<(d0, d1) -> (0)>
#map1 = affine_map<(d0, d1) -> (0, 0)>
module attributes {stable_mosaic.version = 14 : i64} {
  func.func @_sc_gather_body(%arg0: i32, %arg1: i32, %arg2: memref<200xi32, #tpu.memory_space<hbm>>, %arg3: memref<100000x128xf32, #tpu.memory_space<hbm>>, %arg4: memref<13x128xf32, #tpu.memory_space<hbm>>, %arg5: memref<16xi32, #tpu.memory_space<vmem>>, %arg6: memref<16x128xf32, #tpu.memory_space<vmem>>, %arg7: memref<1x128xf32, #tpu.memory_space<vmem>>, %arg8: memref<!tpu.dma_semaphore, #tpu.memory_space<semaphore_mem>>) attributes {dimension_semantics = [#tpu.dimension_semantics<core_parallel>, #tpu.dimension_semantics<subcore_parallel>], iteration_bounds = array<i64: 1, 16>, scalar_prefetch = 0 : i64, scratch_operands = 4 : i64, tpu.core_type = #tpu.core_type<sc_vector_subcore>, window_params = [{transform_indices = #map}, {transform_indices = #map1}, {transform_indices = #map1}]} {
    %lt3A = arith.constant 12 : i32
    %lt3A_0 = arith.cmpi slt, %arg1, %lt3A : i32
    %convert_element_type3A = arith.extui %lt3A_0 : i1 to i32
    %cond3A = arith.constant 0 : i32
    %cond3A_1 = arith.cmpi ne, %convert_element_type3A, %cond3A : i32
    scf.if %cond3A_1 {
      %mul3A = arith.constant 16 : i32
      %mul3A_10 = arith.muli %arg1, %mul3A : i32
      "tpu.region"() ({
        %run_scoped3A = tpu.sem_alloc : memref<!tpu.dma_semaphore, #tpu.memory_space<semaphore_mem>>
        %dma_start3A_1076 = tpu.memref_slice %arg2[%mul3A_10] : memref<200xi32, #tpu.memory_space<hbm>> -> memref<16xi32, #tpu.memory_space<hbm>>
        %dma_start3A_1077 = tpu.memref_slice %arg2[%mul3A_10] : memref<200xi32, #tpu.memory_space<hbm>> -> memref<16xi32, #tpu.memory_space<hbm>>
        tpu.enqueue_dma source(%dma_start3A_1077 : memref<16xi32, #tpu.memory_space<hbm>>) target(%arg5 : memref<16xi32, #tpu.memory_space<vmem>>) target_semaphore(%run_scoped3A : memref<!tpu.dma_semaphore, #tpu.memory_space<semaphore_mem>>)
        %dma_wait3A_1078 = tpu.memref_slice %arg2[%mul3A_10] : memref<200xi32, #tpu.memory_space<hbm>> -> memref<16xi32, #tpu.memory_space<hbm>>
        %dma_wait3A_1079 = tpu.memref_slice %arg2[%mul3A_10] : memref<200xi32, #tpu.memory_space<hbm>> -> memref<16xi32, #tpu.memory_space<hbm>>
        tpu.wait_dma2 semaphore(%run_scoped3A : memref<!tpu.dma_semaphore, #tpu.memory_space<semaphore_mem>>) src(%dma_wait3A_1079 : memref<16xi32, #tpu.memory_space<hbm>>) dst(%arg5 : memref<16xi32, #tpu.memory_space<vmem>>)
        tpu.yield
      }) : () -> ()
      %dma_start3A = arith.constant 0 : i32
      %dma_start3A_11 = arith.constant 0 : i32
      %dma_start3A_12 = tpu.memref_slice %arg3[%dma_start3A, %dma_start3A_11] : memref<100000x128xf32, #tpu.memory_space<hbm>> -> memref<100000x128xf32, #tpu.memory_space<hbm>>
      tpu.enqueue_indirect_dma source(%dma_start3A_12 : memref<100000x128xf32, #tpu.memory_space<hbm>>) target(%arg6 : memref<16x128xf32, #tpu.memory_space<vmem>>) offsets(%arg5 : memref<16xi32, #tpu.memory_space<vmem>>) semaphore(%arg8 : memref<!tpu.dma_semaphore, #tpu.memory_space<semaphore_mem>>)
      %dma_wait3A = arith.constant 0 : i32
      %dma_wait3A_13 = arith.constant 0 : i32
      %dma_wait3A_14 = tpu.memref_slice %arg3[%dma_wait3A, %dma_wait3A_13] : memref<100000x128xf32, #tpu.memory_space<hbm>> -> memref<100000x128xf32, #tpu.memory_space<hbm>>
      tpu.wait_indirect_dma semaphore(%arg8 : memref<!tpu.dma_semaphore, #tpu.memory_space<semaphore_mem>>) src(%dma_wait3A_14 : memref<100000x128xf32, #tpu.memory_space<hbm>>) dst(%arg6 : memref<16x128xf32, #tpu.memory_space<vmem>>)
      %get3A = arith.constant 0 : i32
      %get3A_15 = arith.constant 0 : i32
      %get3A_16 = tpu.memref_slice %arg6[%get3A, %get3A_15] : memref<16x128xf32, #tpu.memory_space<vmem>> -> memref<1x128xf32, #tpu.memory_space<vmem>>
      %get3A_17 = tpu.memref_squeeze %get3A_16 : memref<1x128xf32, #tpu.memory_space<vmem>> -> memref<128xf32, #tpu.memory_space<vmem>>
      %get3A_18 = arith.constant 0 : index
      %get3A_19 = tpu.vector_load %get3A_17[%get3A_18] {strides = array<i32>} : memref<128xf32, #tpu.memory_space<vmem>>, vector<16xf32>,
      %get3A_20 = vector.shape_cast %get3A_19 : vector<16xf32> to vector<16xf32>
      %get3A_21 = arith.constant 1 : i32
      %get3A_22 = arith.constant 0 : i32
      %get3A_23 = tpu.memref_slice %arg6[%get3A_21, %get3A_22] : memref<16x128xf32, #tpu.memory_space<vmem>> -> memref<1x128xf32, #tpu.memory_space<vmem>>
      %get3A_24 = tpu.memref_squeeze %get3A_23 : memref<1x128xf32, #tpu.memory_space<vmem>> -> memref<128xf32, #tpu.memory_space<vmem>>
      %get3A_25 = arith.constant 0 : index
      %get3A_26 = tpu.vector_load %get3A_24[%get3A_25] {strides = array<i32>} : memref<128xf32, #tpu.memory_space<vmem>>, vector<16xf32>,
      %get3A_27 = vector.shape_cast %get3A_26 : vector<16xf32> to vector<16xf32>
      %add3A = arith.addf %get3A_20, %get3A_27 : vector<16xf32>
      %get3A_28 = arith.constant 2 : i32
      %get3A_29 = arith.constant 0 : i32
      %get3A_30 = tpu.memref_slice %arg6[%get3A_28, %get3A_29] : memref<16x128xf32, #tpu.memory_space<vmem>> -> memref<1x128xf32, #tpu.memory_space<vmem>>
      %get3A_31 = tpu.memref_squeeze %get3A_30 : memref<1x128xf32, #tpu.memory_space<vmem>> -> memref<128xf32, #tpu.memory_space<vmem>>
      %get3A_32 = arith.constant 0 : index
      %get3A_33 = tpu.vector_load %get3A_31[%get3A_32] {strides = array<i32>} : memref<128xf32, #tpu.memory_space<vmem>>, vector<16xf32>,
      %get3A_34 = vector.shape_cast %get3A_33 : vector<16xf32> to vector<16xf32>
      %add3A_35 = arith.addf %add3A, %get3A_34 : vector<16xf32>
      %get3A_36 = arith.constant 3 : i32
      %get3A_37 = arith.constant 0 : i32
      %get3A_38 = tpu.memref_slice %arg6[%get3A_36, %get3A_37] : memref<16x128xf32, #tpu.memory_space<vmem>> -> memref<1x128xf32, #tpu.memory_space<vmem>>
      %get3A_39 = tpu.memref_squeeze %get3A_38 : memref<1x128xf32, #tpu.memory_space<vmem>> -> memref<128xf32, #tpu.memory_space<vmem>>
      %get3A_40 = arith.constant 0 : index
      %get3A_41 = tpu.vector_load %get3A_39[%get3A_40] {strides = array<i32>} : memref<128xf32, #tpu.memory_space<vmem>>, vector<16xf32>,
      %get3A_42 = vector.shape_cast %get3A_41 : vector<16xf32> to vector<16xf32>
      %add3A_43 = arith.addf %add3A_35, %get3A_42 : vector<16xf32>
      %get3A_44 = arith.constant 4 : i32
      %get3A_45 = arith.constant 0 : i32
      %get3A_46 = tpu.memref_slice %arg6[%get3A_44, %get3A_45] : memref<16x128xf32, #tpu.memory_space<vmem>> -> memref<1x128xf32, #tpu.memory_space<vmem>>
      %get3A_47 = tpu.memref_squeeze %get3A_46 : memref<1x128xf32, #tpu.memory_space<vmem>> -> memref<128xf32, #tpu.memory_space<vmem>>
      %get3A_48 = arith.constant 0 : index
      %get3A_49 = tpu.vector_load %get3A_47[%get3A_48] {strides = array<i32>} : memref<128xf32, #tpu.memory_space<vmem>>, vector<16xf32>,
      %get3A_50 = vector.shape_cast %get3A_49 : vector<16xf32> to vector<16xf32>
      %add3A_51 = arith.addf %add3A_43, %get3A_50 : vector<16xf32>
      %get3A_52 = arith.constant 5 : i32
      %get3A_53 = arith.constant 0 : i32
      %get3A_54 = tpu.memref_slice %arg6[%get3A_52, %get3A_53] : memref<16x128xf32, #tpu.memory_space<vmem>> -> memref<1x128xf32, #tpu.memory_space<vmem>>
      %get3A_55 = tpu.memref_squeeze %get3A_54 : memref<1x128xf32, #tpu.memory_space<vmem>> -> memref<128xf32, #tpu.memory_space<vmem>>
      %get3A_56 = arith.constant 0 : index
      %get3A_57 = tpu.vector_load %get3A_55[%get3A_56] {strides = array<i32>} : memref<128xf32, #tpu.memory_space<vmem>>, vector<16xf32>,
      %get3A_58 = vector.shape_cast %get3A_57 : vector<16xf32> to vector<16xf32>
      %add3A_59 = arith.addf %add3A_51, %get3A_58 : vector<16xf32>
      %get3A_60 = arith.constant 6 : i32
      %get3A_61 = arith.constant 0 : i32
      %get3A_62 = tpu.memref_slice %arg6[%get3A_60, %get3A_61] : memref<16x128xf32, #tpu.memory_space<vmem>> -> memref<1x128xf32, #tpu.memory_space<vmem>>
      %get3A_63 = tpu.memref_squeeze %get3A_62 : memref<1x128xf32, #tpu.memory_space<vmem>> -> memref<128xf32, #tpu.memory_space<vmem>>
      %get3A_64 = arith.constant 0 : index
      %get3A_65 = tpu.vector_load %get3A_63[%get3A_64] {strides = array<i32>} : memref<128xf32, #tpu.memory_space<vmem>>, vector<16xf32>,
      %get3A_66 = vector.shape_cast %get3A_65 : vector<16xf32> to vector<16xf32>
      %add3A_67 = arith.addf %add3A_59, %get3A_66 : vector<16xf32>
      %get3A_68 = arith.constant 7 : i32
      %get3A_69 = arith.constant 0 : i32
      %get3A_70 = tpu.memref_slice %arg6[%get3A_68, %get3A_69] : memref<16x128xf32, #tpu.memory_space<vmem>> -> memref<1x128xf32, #tpu.memory_space<vmem>>
      %get3A_71 = tpu.memref_squeeze %get3A_70 : memref<1x128xf32, #tpu.memory_space<vmem>> -> memref<128xf32, #tpu.memory_space<vmem>>
      %get3A_72 = arith.constant 0 : index
      %get3A_73 = tpu.vector_load %get3A_71[%get3A_72] {strides = array<i32>} : memref<128xf32, #tpu.memory_space<vmem>>, vector<16xf32>,
      %get3A_74 = vector.shape_cast %get3A_73 : vector<16xf32> to vector<16xf32>
      %add3A_75 = arith.addf %add3A_67, %get3A_74 : vector<16xf32>
      %get3A_76 = arith.constant 8 : i32
      %get3A_77 = arith.constant 0 : i32
      %get3A_78 = tpu.memref_slice %arg6[%get3A_76, %get3A_77] : memref<16x128xf32, #tpu.memory_space<vmem>> -> memref<1x128xf32, #tpu.memory_space<vmem>>
      %get3A_79 = tpu.memref_squeeze %get3A_78 : memref<1x128xf32, #tpu.memory_space<vmem>> -> memref<128xf32, #tpu.memory_space<vmem>>
      %get3A_80 = arith.constant 0 : index
      %get3A_81 = tpu.vector_load %get3A_79[%get3A_80] {strides = array<i32>} : memref<128xf32, #tpu.memory_space<vmem>>, vector<16xf32>,
      %get3A_82 = vector.shape_cast %get3A_81 : vector<16xf32> to vector<16xf32>
      %add3A_83 = arith.addf %add3A_75, %get3A_82 : vector<16xf32>
      %get3A_84 = arith.constant 9 : i32
      %get3A_85 = arith.constant 0 : i32
      %get3A_86 = tpu.memref_slice %arg6[%get3A_84, %get3A_85] : memref<16x128xf32, #tpu.memory_space<vmem>> -> memref<1x128xf32, #tpu.memory_space<vmem>>
      %get3A_87 = tpu.memref_squeeze %get3A_86 : memref<1x128xf32, #tpu.memory_space<vmem>> -> memref<128xf32, #tpu.memory_space<vmem>>
      %get3A_88 = arith.constant 0 : index
      %get3A_89 = tpu.vector_load %get3A_87[%get3A_88] {strides = array<i32>} : memref<128xf32, #tpu.memory_space<vmem>>, vector<16xf32>,
      %get3A_90 = vector.shape_cast %get3A_89 : vector<16xf32> to vector<16xf32>
      %add3A_91 = arith.addf %add3A_83, %get3A_90 : vector<16xf32>
      %get3A_92 = arith.constant 10 : i32
      %get3A_93 = arith.constant 0 : i32
      %get3A_94 = tpu.memref_slice %arg6[%get3A_92, %get3A_93] : memref<16x128xf32, #tpu.memory_space<vmem>> -> memref<1x128xf32, #tpu.memory_space<vmem>>
      %get3A_95 = tpu.memref_squeeze %get3A_94 : memref<1x128xf32, #tpu.memory_space<vmem>> -> memref<128xf32, #tpu.memory_space<vmem>>
      %get3A_96 = arith.constant 0 : index
      %get3A_97 = tpu.vector_load %get3A_95[%get3A_96] {strides = array<i32>} : memref<128xf32, #tpu.memory_space<vmem>>, vector<16xf32>,
      %get3A_98 = vector.shape_cast %get3A_97 : vector<16xf32> to vector<16xf32>
      %add3A_99 = arith.addf %add3A_91, %get3A_98 : vector<16xf32>
      %get3A_100 = arith.constant 11 : i32
      %get3A_101 = arith.constant 0 : i32
      %get3A_102 = tpu.memref_slice %arg6[%get3A_100, %get3A_101] : memref<16x128xf32, #tpu.memory_space<vmem>> -> memref<1x128xf32, #tpu.memory_space<vmem>>
      %get3A_103 = tpu.memref_squeeze %get3A_102 : memref<1x128xf32, #tpu.memory_space<vmem>> -> memref<128xf32, #tpu.memory_space<vmem>>
      %get3A_104 = arith.constant 0 : index
      %get3A_105 = tpu.vector_load %get3A_103[%get3A_104] {strides = array<i32>} : memref<128xf32, #tpu.memory_space<vmem>>, vector<16xf32>,
      %get3A_106 = vector.shape_cast %get3A_105 : vector<16xf32> to vector<16xf32>
      %add3A_107 = arith.addf %add3A_99, %get3A_106 : vector<16xf32>
      %get3A_108 = arith.constant 12 : i32
      %get3A_109 = arith.constant 0 : i32
      %get3A_110 = tpu.memref_slice %arg6[%get3A_108, %get3A_109] : memref<16x128xf32, #tpu.memory_space<vmem>> -> memref<1x128xf32, #tpu.memory_space<vmem>>
      %get3A_111 = tpu.memref_squeeze %get3A_110 : memref<1x128xf32, #tpu.memory_space<vmem>> -> memref<128xf32, #tpu.memory_space<vmem>>
      %get3A_112 = arith.constant 0 : index
      %get3A_113 = tpu.vector_load %get3A_111[%get3A_112] {strides = array<i32>} : memref<128xf32, #tpu.memory_space<vmem>>, vector<16xf32>,
      %get3A_114 = vector.shape_cast %get3A_113 : vector<16xf32> to vector<16xf32>
      %add3A_115 = arith.addf %add3A_107, %get3A_114 : vector<16xf32>
      %get3A_116 = arith.constant 13 : i32
      %get3A_117 = arith.constant 0 : i32
      %get3A_118 = tpu.memref_slice %arg6[%get3A_116, %get3A_117] : memref<16x128xf32, #tpu.memory_space<vmem>> -> memref<1x128xf32, #tpu.memory_space<vmem>>
      %get3A_119 = tpu.memref_squeeze %get3A_118 : memref<1x128xf32, #tpu.memory_space<vmem>> -> memref<128xf32, #tpu.memory_space<vmem>>
      %get3A_120 = arith.constant 0 : index
      %get3A_121 = tpu.vector_load %get3A_119[%get3A_120] {strides = array<i32>} : memref<128xf32, #tpu.memory_space<vmem>>, vector<16xf32>,
      %get3A_122 = vector.shape_cast %get3A_121 : vector<16xf32> to vector<16xf32>
      %add3A_123 = arith.addf %add3A_115, %get3A_122 : vector<16xf32>
      %get3A_124 = arith.constant 14 : i32
      %get3A_125 = arith.constant 0 : i32
      %get3A_126 = tpu.memref_slice %arg6[%get3A_124, %get3A_125] : memref<16x128xf32, #tpu.memory_space<vmem>> -> memref<1x128xf32, #tpu.memory_space<vmem>>
      %get3A_127 = tpu.memref_squeeze %get3A_126 : memref<1x128xf32, #tpu.memory_space<vmem>> -> memref<128xf32, #tpu.memory_space<vmem>>
      %get3A_128 = arith.constant 0 : index
      %get3A_129 = tpu.vector_load %get3A_127[%get3A_128] {strides = array<i32>} : memref<128xf32, #tpu.memory_space<vmem>>, vector<16xf32>,
      %get3A_130 = vector.shape_cast %get3A_129 : vector<16xf32> to vector<16xf32>
      %add3A_131 = arith.addf %add3A_123, %get3A_130 : vector<16xf32>
      %get3A_132 = arith.constant 15 : i32
      %get3A_133 = arith.constant 0 : i32
      %get3A_134 = tpu.memref_slice %arg6[%get3A_132, %get3A_133] : memref<16x128xf32, #tpu.memory_space<vmem>> -> memref<1x128xf32, #tpu.memory_space<vmem>>
      %get3A_135 = tpu.memref_squeeze %get3A_134 : memref<1x128xf32, #tpu.memory_space<vmem>> -> memref<128xf32, #tpu.memory_space<vmem>>
      %get3A_136 = arith.constant 0 : index
      %get3A_137 = tpu.vector_load %get3A_135[%get3A_136] {strides = array<i32>} : memref<128xf32, #tpu.memory_space<vmem>>, vector<16xf32>,
      %get3A_138 = vector.shape_cast %get3A_137 : vector<16xf32> to vector<16xf32>
      %add3A_139 = arith.addf %add3A_131, %get3A_138 : vector<16xf32>
      %swap3A = arith.constant 0 : i32
      %swap3A_140 = arith.index_cast %swap3A : i32 to index
      %swap3A_141 = arith.constant 0 : index
      %swap3A_142 = tpu.vector_load %arg7[%swap3A_140, %swap3A_141] {strides = array<i32>} : memref<1x128xf32, #tpu.memory_space<vmem>>, vector<1x16xf32>,
      %swap3A_143 = vector.shape_cast %swap3A_142 : vector<1x16xf32> to vector<16xf32>
      %swap3A_144 = vector.shape_cast %add3A_139 : vector<16xf32> to vector<1x16xf32>
      tpu.vector_store %arg7[%swap3A_140, %swap3A_141], %swap3A_144 {strides = array<i32>} : memref<1x128xf32, #tpu.memory_space<vmem>>, vector<1x16xf32>,
      %get3A_145 = arith.constant 0 : i32
      %get3A_146 = arith.constant 0 : i32
      %get3A_147 = tpu.memref_slice %arg6[%get3A_145, %get3A_146] : memref<16x128xf32, #tpu.memory_space<vmem>> -> memref<1x128xf32, #tpu.memory_space<vmem>>
      %get3A_148 = tpu.memref_squeeze %get3A_147 : memref<1x128xf32, #tpu.memory_space<vmem>> -> memref<128xf32, #tpu.memory_space<vmem>>
      %get3A_149 = arith.constant 16 : index
      %get3A_150 = tpu.vector_load %get3A_148[%get3A_149] {strides = array<i32>} : memref<128xf32, #tpu.memory_space<vmem>>, vector<16xf32>,
      %get3A_151 = vector.shape_cast %get3A_150 : vector<16xf32> to vector<16xf32>
      %get3A_152 = arith.constant 1 : i32
      %get3A_153 = arith.constant 0 : i32
      %get3A_154 = tpu.memref_slice %arg6[%get3A_152, %get3A_153] : memref<16x128xf32, #tpu.memory_space<vmem>> -> memref<1x128xf32, #tpu.memory_space<vmem>>
      %get3A_155 = tpu.memref_squeeze %get3A_154 : memref<1x128xf32, #tpu.memory_space<vmem>> -> memref<128xf32, #tpu.memory_space<vmem>>
      %get3A_156 = arith.constant 16 : index
      %get3A_157 = tpu.vector_load %get3A_155[%get3A_156] {strides = array<i32>} : memref<128xf32, #tpu.memory_space<vmem>>, vector<16xf32>,
      %get3A_158 = vector.shape_cast %get3A_157 : vector<16xf32> to vector<16xf32>
      %add3A_159 = arith.addf %get3A_151, %get3A_158 : vector<16xf32>
      %get3A_160 = arith.constant 2 : i32
      %get3A_161 = arith.constant 0 : i32
      %get3A_162 = tpu.memref_slice %arg6[%get3A_160, %get3A_161] : memref<16x128xf32, #tpu.memory_space<vmem>> -> memref<1x128xf32, #tpu.memory_space<vmem>>
      %get3A_163 = tpu.memref_squeeze %get3A_162 : memref<1x128xf32, #tpu.memory_space<vmem>> -> memref<128xf32, #tpu.memory_space<vmem>>
      %get3A_164 = arith.constant 16 : index
      %get3A_165 = tpu.vector_load %get3A_163[%get3A_164] {strides = array<i32>} : memref<128xf32, #tpu.memory_space<vmem>>, vector<16xf32>,
      %get3A_166 = vector.shape_cast %get3A_165 : vector<16xf32> to vector<16xf32>
      %add3A_167 = arith.addf %add3A_159, %get3A_166 : vector<16xf32>
      %get3A_168 = arith.constant 3 : i32
      %get3A_169 = arith.constant 0 : i32
      %get3A_170 = tpu.memref_slice %arg6[%get3A_168, %get3A_169] : memref<16x128xf32, #tpu.memory_space<vmem>> -> memref<1x128xf32, #tpu.memory_space<vmem>>
      %get3A_171 = tpu.memref_squeeze %get3A_170 : memref<1x128xf32, #tpu.memory_space<vmem>> -> memref<128xf32, #tpu.memory_space<vmem>>
      %get3A_172 = arith.constant 16 : index
      %get3A_173 = tpu.vector_load %get3A_171[%get3A_172] {strides = array<i32>} : memref<128xf32, #tpu.memory_space<vmem>>, vector<16xf32>,
      %get3A_174 = vector.shape_cast %get3A_173 : vector<16xf32> to vector<16xf32>
      %add3A_175 = arith.addf %add3A_167, %get3A_174 : vector<16xf32>
      %get3A_176 = arith.constant 4 : i32
      %get3A_177 = arith.constant 0 : i32
      %get3A_178 = tpu.memref_slice %arg6[%get3A_176, %get3A_177] : memref<16x128xf32, #tpu.memory_space<vmem>> -> memref<1x128xf32, #tpu.memory_space<vmem>>
      %get3A_179 = tpu.memref_squeeze %get3A_178 : memref<1x128xf32, #tpu.memory_space<vmem>> -> memref<128xf32, #tpu.memory_space<vmem>>
      %get3A_180 = arith.constant 16 : index
      %get3A_181 = tpu.vector_load %get3A_179[%get3A_180] {strides = array<i32>} : memref<128xf32, #tpu.memory_space<vmem>>, vector<16xf32>,
      %get3A_182 = vector.shape_cast %get3A_181 : vector<16xf32> to vector<16xf32>
      %add3A_183 = arith.addf %add3A_175, %get3A_182 : vector<16xf32>
      %get3A_184 = arith.constant 5 : i32
      %get3A_185 = arith.constant 0 : i32
      %get3A_186 = tpu.memref_slice %arg6[%get3A_184, %get3A_185] : memref<16x128xf32, #tpu.memory_space<vmem>> -> memref<1x128xf32, #tpu.memory_space<vmem>>
      %get3A_187 = tpu.memref_squeeze %get3A_186 : memref<1x128xf32, #tpu.memory_space<vmem>> -> memref<128xf32, #tpu.memory_space<vmem>>
      %get3A_188 = arith.constant 16 : index
      %get3A_189 = tpu.vector_load %get3A_187[%get3A_188] {strides = array<i32>} : memref<128xf32, #tpu.memory_space<vmem>>, vector<16xf32>,
      %get3A_190 = vector.shape_cast %get3A_189 : vector<16xf32> to vector<16xf32>
      %add3A_191 = arith.addf %add3A_183, %get3A_190 : vector<16xf32>
      %get3A_192 = arith.constant 6 : i32
      %get3A_193 = arith.constant 0 : i32
      %get3A_194 = tpu.memref_slice %arg6[%get3A_192, %get3A_193] : memref<16x128xf32, #tpu.memory_space<vmem>> -> memref<1x128xf32, #tpu.memory_space<vmem>>
      %get3A_195 = tpu.memref_squeeze %get3A_194 : memref<1x128xf32, #tpu.memory_space<vmem>> -> memref<128xf32, #tpu.memory_space<vmem>>
      %get3A_196 = arith.constant 16 : index
      %get3A_197 = tpu.vector_load %get3A_195[%get3A_196] {strides = array<i32>} : memref<128xf32, #tpu.memory_space<vmem>>, vector<16xf32>,
      %get3A_198 = vector.shape_cast %get3A_197 : vector<16xf32> to vector<16xf32>
      %add3A_199 = arith.addf %add3A_191, %get3A_198 : vector<16xf32>
      %get3A_200 = arith.constant 7 : i32
      %get3A_201 = arith.constant 0 : i32
      %get3A_202 = tpu.memref_slice %arg6[%get3A_200, %get3A_201] : memref<16x128xf32, #tpu.memory_space<vmem>> -> memref<1x128xf32, #tpu.memory_space<vmem>>
      %get3A_203 = tpu.memref_squeeze %get3A_202 : memref<1x128xf32, #tpu.memory_space<vmem>> -> memref<128xf32, #tpu.memory_space<vmem>>
      %get3A_204 = arith.constant 16 : index
      %get3A_205 = tpu.vector_load %get3A_203[%get3A_204] {strides = array<i32>} : memref<128xf32, #tpu.memory_space<vmem>>, vector<16xf32>,
      %get3A_206 = vector.shape_cast %get3A_205 : vector<16xf32> to vector<16xf32>
      %add3A_207 = arith.addf %add3A_199, %get3A_206 : vector<16xf32>
      %get3A_208 = arith.constant 8 : i32
      %get3A_209 = arith.constant 0 : i32
      %get3A_210 = tpu.memref_slice %arg6[%get3A_208, %get3A_209] : memref<16x128xf32, #tpu.memory_space<vmem>> -> memref<1x128xf32, #tpu.memory_space<vmem>>
      %get3A_211 = tpu.memref_squeeze %get3A_210 : memref<1x128xf32, #tpu.memory_space<vmem>> -> memref<128xf32, #tpu.memory_space<vmem>>
      %get3A_212 = arith.constant 16 : index
      %get3A_213 = tpu.vector_load %get3A_211[%get3A_212] {strides = array<i32>} : memref<128xf32, #tpu.memory_space<vmem>>, vector<16xf32>,
      %get3A_214 = vector.shape_cast %get3A_213 : vector<16xf32> to vector<16xf32>
      %add3A_215 = arith.addf %add3A_207, %get3A_214 : vector<16xf32>
      %get3A_216 = arith.constant 9 : i32
      %get3A_217 = arith.constant 0 : i32
      %get3A_218 = tpu.memref_slice %arg6[%get3A_216, %get3A_217] : memref<16x128xf32, #tpu.memory_space<vmem>> -> memref<1x128xf32, #tpu.memory_space<vmem>>
      %get3A_219 = tpu.memref_squeeze %get3A_218 : memref<1x128xf32, #tpu.memory_space<vmem>> -> memref<128xf32, #tpu.memory_space<vmem>>
      %get3A_220 = arith.constant 16 : index
      %get3A_221 = tpu.vector_load %get3A_219[%get3A_220] {strides = array<i32>} : memref<128xf32, #tpu.memory_space<vmem>>, vector<16xf32>,
      %get3A_222 = vector.shape_cast %get3A_221 : vector<16xf32> to vector<16xf32>
      %add3A_223 = arith.addf %add3A_215, %get3A_222 : vector<16xf32>
      %get3A_224 = arith.constant 10 : i32
      %get3A_225 = arith.constant 0 : i32
      %get3A_226 = tpu.memref_slice %arg6[%get3A_224, %get3A_225] : memref<16x128xf32, #tpu.memory_space<vmem>> -> memref<1x128xf32, #tpu.memory_space<vmem>>
      %get3A_227 = tpu.memref_squeeze %get3A_226 : memref<1x128xf32, #tpu.memory_space<vmem>> -> memref<128xf32, #tpu.memory_space<vmem>>
      %get3A_228 = arith.constant 16 : index
      %get3A_229 = tpu.vector_load %get3A_227[%get3A_228] {strides = array<i32>} : memref<128xf32, #tpu.memory_space<vmem>>, vector<16xf32>,
      %get3A_230 = vector.shape_cast %get3A_229 : vector<16xf32> to vector<16xf32>
      %add3A_231 = arith.addf %add3A_223, %get3A_230 : vector<16xf32>
      %get3A_232 = arith.constant 11 : i32
      %get3A_233 = arith.constant 0 : i32
      %get3A_234 = tpu.memref_slice %arg6[%get3A_232, %get3A_233] : memref<16x128xf32, #tpu.memory_space<vmem>> -> memref<1x128xf32, #tpu.memory_space<vmem>>
      %get3A_235 = tpu.memref_squeeze %get3A_234 : memref<1x128xf32, #tpu.memory_space<vmem>> -> memref<128xf32, #tpu.memory_space<vmem>>
      %get3A_236 = arith.constant 16 : index
      %get3A_237 = tpu.vector_load %get3A_235[%get3A_236] {strides = array<i32>} : memref<128xf32, #tpu.memory_space<vmem>>, vector<16xf32>,
      %get3A_238 = vector.shape_cast %get3A_237 : vector<16xf32> to vector<16xf32>
      %add3A_239 = arith.addf %add3A_231, %get3A_238 : vector<16xf32>
      %get3A_240 = arith.constant 12 : i32
      %get3A_241 = arith.constant 0 : i32
      %get3A_242 = tpu.memref_slice %arg6[%get3A_240, %get3A_241] : memref<16x128xf32, #tpu.memory_space<vmem>> -> memref<1x128xf32, #tpu.memory_space<vmem>>
      %get3A_243 = tpu.memref_squeeze %get3A_242 : memref<1x128xf32, #tpu.memory_space<vmem>> -> memref<128xf32, #tpu.memory_space<vmem>>
      %get3A_244 = arith.constant 16 : index
      %get3A_245 = tpu.vector_load %get3A_243[%get3A_244] {strides = array<i32>} : memref<128xf32, #tpu.memory_space<vmem>>, vector<16xf32>,
      %get3A_246 = vector.shape_cast %get3A_245 : vector<16xf32> to vector<16xf32>
      %add3A_247 = arith.addf %add3A_239, %get3A_246 : vector<16xf32>
      %get3A_248 = arith.constant 13 : i32
      %get3A_249 = arith.constant 0 : i32
      %get3A_250 = tpu.memref_slice %arg6[%get3A_248, %get3A_249] : memref<16x128xf32, #tpu.memory_space<vmem>> -> memref<1x128xf32, #tpu.memory_space<vmem>>
      %get3A_251 = tpu.memref_squeeze %get3A_250 : memref<1x128xf32, #tpu.memory_space<vmem>> -> memref<128xf32, #tpu.memory_space<vmem>>
      %get3A_252 = arith.constant 16 : index
      %get3A_253 = tpu.vector_load %get3A_251[%get3A_252] {strides = array<i32>} : memref<128xf32, #tpu.memory_space<vmem>>, vector<16xf32>,
      %get3A_254 = vector.shape_cast %get3A_253 : vector<16xf32> to vector<16xf32>
      %add3A_255 = arith.addf %add3A_247, %get3A_254 : vector<16xf32>
      %get3A_256 = arith.constant 14 : i32
      %get3A_257 = arith.constant 0 : i32
      %get3A_258 = tpu.memref_slice %arg6[%get3A_256, %get3A_257] : memref<16x128xf32, #tpu.memory_space<vmem>> -> memref<1x128xf32, #tpu.memory_space<vmem>>
      %get3A_259 = tpu.memref_squeeze %get3A_258 : memref<1x128xf32, #tpu.memory_space<vmem>> -> memref<128xf32, #tpu.memory_space<vmem>>
      %get3A_260 = arith.constant 16 : index
      %get3A_261 = tpu.vector_load %get3A_259[%get3A_260] {strides = array<i32>} : memref<128xf32, #tpu.memory_space<vmem>>, vector<16xf32>,
      %get3A_262 = vector.shape_cast %get3A_261 : vector<16xf32> to vector<16xf32>
      %add3A_263 = arith.addf %add3A_255, %get3A_262 : vector<16xf32>
      %get3A_264 = arith.constant 15 : i32
      %get3A_265 = arith.constant 0 : i32
      %get3A_266 = tpu.memref_slice %arg6[%get3A_264, %get3A_265] : memref<16x128xf32, #tpu.memory_space<vmem>> -> memref<1x128xf32, #tpu.memory_space<vmem>>
      %get3A_267 = tpu.memref_squeeze %get3A_266 : memref<1x128xf32, #tpu.memory_space<vmem>> -> memref<128xf32, #tpu.memory_space<vmem>>
      %get3A_268 = arith.constant 16 : index
      %get3A_269 = tpu.vector_load %get3A_267[%get3A_268] {strides = array<i32>} : memref<128xf32, #tpu.memory_space<vmem>>, vector<16xf32>,
      %get3A_270 = vector.shape_cast %get3A_269 : vector<16xf32> to vector<16xf32>
      %add3A_271 = arith.addf %add3A_263, %get3A_270 : vector<16xf32>
      %swap3A_272 = arith.constant 0 : i32
      %swap3A_273 = arith.index_cast %swap3A_272 : i32 to index
      %swap3A_274 = arith.constant 16 : index
      %swap3A_275 = tpu.vector_load %arg7[%swap3A_273, %swap3A_274] {strides = array<i32>} : memref<1x128xf32, #tpu.memory_space<vmem>>, vector<1x16xf32>,
      %swap3A_276 = vector.shape_cast %swap3A_275 : vector<1x16xf32> to vector<16xf32>
      %swap3A_277 = vector.shape_cast %add3A_271 : vector<16xf32> to vector<1x16xf32>
      tpu.vector_store %arg7[%swap3A_273, %swap3A_274], %swap3A_277 {strides = array<i32>} : memref<1x128xf32, #tpu.memory_space<vmem>>, vector<1x16xf32>,
      %get3A_278 = arith.constant 0 : i32
      %get3A_279 = arith.constant 0 : i32
      %get3A_280 = tpu.memref_slice %arg6[%get3A_278, %get3A_279] : memref<16x128xf32, #tpu.memory_space<vmem>> -> memref<1x128xf32, #tpu.memory_space<vmem>>
      %get3A_281 = tpu.memref_squeeze %get3A_280 : memref<1x128xf32, #tpu.memory_space<vmem>> -> memref<128xf32, #tpu.memory_space<vmem>>
      %get3A_282 = arith.constant 32 : index
      %get3A_283 = tpu.vector_load %get3A_281[%get3A_282] {strides = array<i32>} : memref<128xf32, #tpu.memory_space<vmem>>, vector<16xf32>,
      %get3A_284 = vector.shape_cast %get3A_283 : vector<16xf32> to vector<16xf32>
      %get3A_285 = arith.constant 1 : i32
      %get3A_286 = arith.constant 0 : i32
      %get3A_287 = tpu.memref_slice %arg6[%get3A_285, %get3A_286] : memref<16x128xf32, #tpu.memory_space<vmem>> -> memref<1x128xf32, #tpu.memory_space<vmem>>
      %get3A_288 = tpu.memref_squeeze %get3A_287 : memref<1x128xf32, #tpu.memory_space<vmem>> -> memref<128xf32, #tpu.memory_space<vmem>>
      %get3A_289 = arith.constant 32 : index
      %get3A_290 = tpu.vector_load %get3A_288[%get3A_289] {strides = array<i32>} : memref<128xf32, #tpu.memory_space<vmem>>, vector<16xf32>,
      %get3A_291 = vector.shape_cast %get3A_290 : vector<16xf32> to vector<16xf32>
      %add3A_292 = arith.addf %get3A_284, %get3A_291 : vector<16xf32>
      %get3A_293 = arith.constant 2 : i32
      %get3A_294 = arith.constant 0 : i32
      %get3A_295 = tpu.memref_slice %arg6[%get3A_293, %get3A_294] : memref<16x128xf32, #tpu.memory_space<vmem>> -> memref<1x128xf32, #tpu.memory_space<vmem>>
      %get3A_296 = tpu.memref_squeeze %get3A_295 : memref<1x128xf32, #tpu.memory_space<vmem>> -> memref<128xf32, #tpu.memory_space<vmem>>
      %get3A_297 = arith.constant 32 : index
      %get3A_298 = tpu.vector_load %get3A_296[%get3A_297] {strides = array<i32>} : memref<128xf32, #tpu.memory_space<vmem>>, vector<16xf32>,
      %get3A_299 = vector.shape_cast %get3A_298 : vector<16xf32> to vector<16xf32>
      %add3A_300 = arith.addf %add3A_292, %get3A_299 : vector<16xf32>
      %get3A_301 = arith.constant 3 : i32
      %get3A_302 = arith.constant 0 : i32
      %get3A_303 = tpu.memref_slice %arg6[%get3A_301, %get3A_302] : memref<16x128xf32, #tpu.memory_space<vmem>> -> memref<1x128xf32, #tpu.memory_space<vmem>>
      %get3A_304 = tpu.memref_squeeze %get3A_303 : memref<1x128xf32, #tpu.memory_space<vmem>> -> memref<128xf32, #tpu.memory_space<vmem>>
      %get3A_305 = arith.constant 32 : index
      %get3A_306 = tpu.vector_load %get3A_304[%get3A_305] {strides = array<i32>} : memref<128xf32, #tpu.memory_space<vmem>>, vector<16xf32>,
      %get3A_307 = vector.shape_cast %get3A_306 : vector<16xf32> to vector<16xf32>
      %add3A_308 = arith.addf %add3A_300, %get3A_307 : vector<16xf32>
      %get3A_309 = arith.constant 4 : i32
      %get3A_310 = arith.constant 0 : i32
      %get3A_311 = tpu.memref_slice %arg6[%get3A_309, %get3A_310] : memref<16x128xf32, #tpu.memory_space<vmem>> -> memref<1x128xf32, #tpu.memory_space<vmem>>
      %get3A_312 = tpu.memref_squeeze %get3A_311 : memref<1x128xf32, #tpu.memory_space<vmem>> -> memref<128xf32, #tpu.memory_space<vmem>>
      %get3A_313 = arith.constant 32 : index
      %get3A_314 = tpu.vector_load %get3A_312[%get3A_313] {strides = array<i32>} : memref<128xf32, #tpu.memory_space<vmem>>, vector<16xf32>,
      %get3A_315 = vector.shape_cast %get3A_314 : vector<16xf32> to vector<16xf32>
      %add3A_316 = arith.addf %add3A_308, %get3A_315 : vector<16xf32>
      %get3A_317 = arith.constant 5 : i32
      %get3A_318 = arith.constant 0 : i32
      %get3A_319 = tpu.memref_slice %arg6[%get3A_317, %get3A_318] : memref<16x128xf32, #tpu.memory_space<vmem>> -> memref<1x128xf32, #tpu.memory_space<vmem>>
      %get3A_320 = tpu.memref_squeeze %get3A_319 : memref<1x128xf32, #tpu.memory_space<vmem>> -> memref<128xf32, #tpu.memory_space<vmem>>
      %get3A_321 = arith.constant 32 : index
      %get3A_322 = tpu.vector_load %get3A_320[%get3A_321] {strides = array<i32>} : memref<128xf32, #tpu.memory_space<vmem>>, vector<16xf32>,
      %get3A_323 = vector.shape_cast %get3A_322 : vector<16xf32> to vector<16xf32>
      %add3A_324 = arith.addf %add3A_316, %get3A_323 : vector<16xf32>
      %get3A_325 = arith.constant 6 : i32
      %get3A_326 = arith.constant 0 : i32
      %get3A_327 = tpu.memref_slice %arg6[%get3A_325, %get3A_326] : memref<16x128xf32, #tpu.memory_space<vmem>> -> memref<1x128xf32, #tpu.memory_space<vmem>>
      %get3A_328 = tpu.memref_squeeze %get3A_327 : memref<1x128xf32, #tpu.memory_space<vmem>> -> memref<128xf32, #tpu.memory_space<vmem>>
      %get3A_329 = arith.constant 32 : index
      %get3A_330 = tpu.vector_load %get3A_328[%get3A_329] {strides = array<i32>} : memref<128xf32, #tpu.memory_space<vmem>>, vector<16xf32>,
      %get3A_331 = vector.shape_cast %get3A_330 : vector<16xf32> to vector<16xf32>
      %add3A_332 = arith.addf %add3A_324, %get3A_331 : vector<16xf32>
      %get3A_333 = arith.constant 7 : i32
      %get3A_334 = arith.constant 0 : i32
      %get3A_335 = tpu.memref_slice %arg6[%get3A_333, %get3A_334] : memref<16x128xf32, #tpu.memory_space<vmem>> -> memref<1x128xf32, #tpu.memory_space<vmem>>
      %get3A_336 = tpu.memref_squeeze %get3A_335 : memref<1x128xf32, #tpu.memory_space<vmem>> -> memref<128xf32, #tpu.memory_space<vmem>>
      %get3A_337 = arith.constant 32 : index
      %get3A_338 = tpu.vector_load %get3A_336[%get3A_337] {strides = array<i32>} : memref<128xf32, #tpu.memory_space<vmem>>, vector<16xf32>,
      %get3A_339 = vector.shape_cast %get3A_338 : vector<16xf32> to vector<16xf32>
      %add3A_340 = arith.addf %add3A_332, %get3A_339 : vector<16xf32>
      %get3A_341 = arith.constant 8 : i32
      %get3A_342 = arith.constant 0 : i32
      %get3A_343 = tpu.memref_slice %arg6[%get3A_341, %get3A_342] : memref<16x128xf32, #tpu.memory_space<vmem>> -> memref<1x128xf32, #tpu.memory_space<vmem>>
      %get3A_344 = tpu.memref_squeeze %get3A_343 : memref<1x128xf32, #tpu.memory_space<vmem>> -> memref<128xf32, #tpu.memory_space<vmem>>
      %get3A_345 = arith.constant 32 : index
      %get3A_346 = tpu.vector_load %get3A_344[%get3A_345] {strides = array<i32>} : memref<128xf32, #tpu.memory_space<vmem>>, vector<16xf32>,
      %get3A_347 = vector.shape_cast %get3A_346 : vector<16xf32> to vector<16xf32>
      %add3A_348 = arith.addf %add3A_340, %get3A_347 : vector<16xf32>
      %get3A_349 = arith.constant 9 : i32
      %get3A_350 = arith.constant 0 : i32
      %get3A_351 = tpu.memref_slice %arg6[%get3A_349, %get3A_350] : memref<16x128xf32, #tpu.memory_space<vmem>> -> memref<1x128xf32, #tpu.memory_space<vmem>>
      %get3A_352 = tpu.memref_squeeze %get3A_351 : memref<1x128xf32, #tpu.memory_space<vmem>> -> memref<128xf32, #tpu.memory_space<vmem>>
      %get3A_353 = arith.constant 32 : index
      %get3A_354 = tpu.vector_load %get3A_352[%get3A_353] {strides = array<i32>} : memref<128xf32, #tpu.memory_space<vmem>>, vector<16xf32>,
      %get3A_355 = vector.shape_cast %get3A_354 : vector<16xf32> to vector<16xf32>
      %add3A_356 = arith.addf %add3A_348, %get3A_355 : vector<16xf32>
      %get3A_357 = arith.constant 10 : i32
      %get3A_358 = arith.constant 0 : i32
      %get3A_359 = tpu.memref_slice %arg6[%get3A_357, %get3A_358] : memref<16x128xf32, #tpu.memory_space<vmem>> -> memref<1x128xf32, #tpu.memory_space<vmem>>
      %get3A_360 = tpu.memref_squeeze %get3A_359 : memref<1x128xf32, #tpu.memory_space<vmem>> -> memref<128xf32, #tpu.memory_space<vmem>>
      %get3A_361 = arith.constant 32 : index
      %get3A_362 = tpu.vector_load %get3A_360[%get3A_361] {strides = array<i32>} : memref<128xf32, #tpu.memory_space<vmem>>, vector<16xf32>,
      %get3A_363 = vector.shape_cast %get3A_362 : vector<16xf32> to vector<16xf32>
      %add3A_364 = arith.addf %add3A_356, %get3A_363 : vector<16xf32>
      %get3A_365 = arith.constant 11 : i32
      %get3A_366 = arith.constant 0 : i32
      %get3A_367 = tpu.memref_slice %arg6[%get3A_365, %get3A_366] : memref<16x128xf32, #tpu.memory_space<vmem>> -> memref<1x128xf32, #tpu.memory_space<vmem>>
      %get3A_368 = tpu.memref_squeeze %get3A_367 : memref<1x128xf32, #tpu.memory_space<vmem>> -> memref<128xf32, #tpu.memory_space<vmem>>
      %get3A_369 = arith.constant 32 : index
      %get3A_370 = tpu.vector_load %get3A_368[%get3A_369] {strides = array<i32>} : memref<128xf32, #tpu.memory_space<vmem>>, vector<16xf32>,
      %get3A_371 = vector.shape_cast %get3A_370 : vector<16xf32> to vector<16xf32>
      %add3A_372 = arith.addf %add3A_364, %get3A_371 : vector<16xf32>
      %get3A_373 = arith.constant 12 : i32
      %get3A_374 = arith.constant 0 : i32
      %get3A_375 = tpu.memref_slice %arg6[%get3A_373, %get3A_374] : memref<16x128xf32, #tpu.memory_space<vmem>> -> memref<1x128xf32, #tpu.memory_space<vmem>>
      %get3A_376 = tpu.memref_squeeze %get3A_375 : memref<1x128xf32, #tpu.memory_space<vmem>> -> memref<128xf32, #tpu.memory_space<vmem>>
      %get3A_377 = arith.constant 32 : index
      %get3A_378 = tpu.vector_load %get3A_376[%get3A_377] {strides = array<i32>} : memref<128xf32, #tpu.memory_space<vmem>>, vector<16xf32>,
      %get3A_379 = vector.shape_cast %get3A_378 : vector<16xf32> to vector<16xf32>
      %add3A_380 = arith.addf %add3A_372, %get3A_379 : vector<16xf32>
      %get3A_381 = arith.constant 13 : i32
      %get3A_382 = arith.constant 0 : i32
      %get3A_383 = tpu.memref_slice %arg6[%get3A_381, %get3A_382] : memref<16x128xf32, #tpu.memory_space<vmem>> -> memref<1x128xf32, #tpu.memory_space<vmem>>
      %get3A_384 = tpu.memref_squeeze %get3A_383 : memref<1x128xf32, #tpu.memory_space<vmem>> -> memref<128xf32, #tpu.memory_space<vmem>>
      %get3A_385 = arith.constant 32 : index
      %get3A_386 = tpu.vector_load %get3A_384[%get3A_385] {strides = array<i32>} : memref<128xf32, #tpu.memory_space<vmem>>, vector<16xf32>,
      %get3A_387 = vector.shape_cast %get3A_386 : vector<16xf32> to vector<16xf32>
      %add3A_388 = arith.addf %add3A_380, %get3A_387 : vector<16xf32>
      %get3A_389 = arith.constant 14 : i32
      %get3A_390 = arith.constant 0 : i32
      %get3A_391 = tpu.memref_slice %arg6[%get3A_389, %get3A_390] : memref<16x128xf32, #tpu.memory_space<vmem>> -> memref<1x128xf32, #tpu.memory_space<vmem>>
      %get3A_392 = tpu.memref_squeeze %get3A_391 : memref<1x128xf32, #tpu.memory_space<vmem>> -> memref<128xf32, #tpu.memory_space<vmem>>
      %get3A_393 = arith.constant 32 : index
      %get3A_394 = tpu.vector_load %get3A_392[%get3A_393] {strides = array<i32>} : memref<128xf32, #tpu.memory_space<vmem>>, vector<16xf32>,
      %get3A_395 = vector.shape_cast %get3A_394 : vector<16xf32> to vector<16xf32>
      %add3A_396 = arith.addf %add3A_388, %get3A_395 : vector<16xf32>
      %get3A_397 = arith.constant 15 : i32
      %get3A_398 = arith.constant 0 : i32
      %get3A_399 = tpu.memref_slice %arg6[%get3A_397, %get3A_398] : memref<16x128xf32, #tpu.memory_space<vmem>> -> memref<1x128xf32, #tpu.memory_space<vmem>>
      %get3A_400 = tpu.memref_squeeze %get3A_399 : memref<1x128xf32, #tpu.memory_space<vmem>> -> memref<128xf32, #tpu.memory_space<vmem>>
      %get3A_401 = arith.constant 32 : index
      %get3A_402 = tpu.vector_load %get3A_400[%get3A_401] {strides = array<i32>} : memref<128xf32, #tpu.memory_space<vmem>>, vector<16xf32>,
      %get3A_403 = vector.shape_cast %get3A_402 : vector<16xf32> to vector<16xf32>
      %add3A_404 = arith.addf %add3A_396, %get3A_403 : vector<16xf32>
      %swap3A_405 = arith.constant 0 : i32
      %swap3A_406 = arith.index_cast %swap3A_405 : i32 to index
      %swap3A_407 = arith.constant 32 : index
      %swap3A_408 = tpu.vector_load %arg7[%swap3A_406, %swap3A_407] {strides = array<i32>} : memref<1x128xf32, #tpu.memory_space<vmem>>, vector<1x16xf32>,
      %swap3A_409 = vector.shape_cast %swap3A_408 : vector<1x16xf32> to vector<16xf32>
      %swap3A_410 = vector.shape_cast %add3A_404 : vector<16xf32> to vector<1x16xf32>
      tpu.vector_store %arg7[%swap3A_406, %swap3A_407], %swap3A_410 {strides = array<i32>} : memref<1x128xf32, #tpu.memory_space<vmem>>, vector<1x16xf32>,
      %get3A_411 = arith.constant 0 : i32
      %get3A_412 = arith.constant 0 : i32
      %get3A_413 = tpu.memref_slice %arg6[%get3A_411, %get3A_412] : memref<16x128xf32, #tpu.memory_space<vmem>> -> memref<1x128xf32, #tpu.memory_space<vmem>>
      %get3A_414 = tpu.memref_squeeze %get3A_413 : memref<1x128xf32, #tpu.memory_space<vmem>> -> memref<128xf32, #tpu.memory_space<vmem>>
      %get3A_415 = arith.constant 48 : index
      %get3A_416 = tpu.vector_load %get3A_414[%get3A_415] {strides = array<i32>} : memref<128xf32, #tpu.memory_space<vmem>>, vector<16xf32>,
      %get3A_417 = vector.shape_cast %get3A_416 : vector<16xf32> to vector<16xf32>
      %get3A_418 = arith.constant 1 : i32
      %get3A_419 = arith.constant 0 : i32
      %get3A_420 = tpu.memref_slice %arg6[%get3A_418, %get3A_419] : memref<16x128xf32, #tpu.memory_space<vmem>> -> memref<1x128xf32, #tpu.memory_space<vmem>>
      %get3A_421 = tpu.memref_squeeze %get3A_420 : memref<1x128xf32, #tpu.memory_space<vmem>> -> memref<128xf32, #tpu.memory_space<vmem>>
      %get3A_422 = arith.constant 48 : index
      %get3A_423 = tpu.vector_load %get3A_421[%get3A_422] {strides = array<i32>} : memref<128xf32, #tpu.memory_space<vmem>>, vector<16xf32>,
      %get3A_424 = vector.shape_cast %get3A_423 : vector<16xf32> to vector<16xf32>
      %add3A_425 = arith.addf %get3A_417, %get3A_424 : vector<16xf32>
      %get3A_426 = arith.constant 2 : i32
      %get3A_427 = arith.constant 0 : i32
      %get3A_428 = tpu.memref_slice %arg6[%get3A_426, %get3A_427] : memref<16x128xf32, #tpu.memory_space<vmem>> -> memref<1x128xf32, #tpu.memory_space<vmem>>
      %get3A_429 = tpu.memref_squeeze %get3A_428 : memref<1x128xf32, #tpu.memory_space<vmem>> -> memref<128xf32, #tpu.memory_space<vmem>>
      %get3A_430 = arith.constant 48 : index
      %get3A_431 = tpu.vector_load %get3A_429[%get3A_430] {strides = array<i32>} : memref<128xf32, #tpu.memory_space<vmem>>, vector<16xf32>,
      %get3A_432 = vector.shape_cast %get3A_431 : vector<16xf32> to vector<16xf32>
      %add3A_433 = arith.addf %add3A_425, %get3A_432 : vector<16xf32>
      %get3A_434 = arith.constant 3 : i32
      %get3A_435 = arith.constant 0 : i32
      %get3A_436 = tpu.memref_slice %arg6[%get3A_434, %get3A_435] : memref<16x128xf32, #tpu.memory_space<vmem>> -> memref<1x128xf32, #tpu.memory_space<vmem>>
      %get3A_437 = tpu.memref_squeeze %get3A_436 : memref<1x128xf32, #tpu.memory_space<vmem>> -> memref<128xf32, #tpu.memory_space<vmem>>
      %get3A_438 = arith.constant 48 : index
      %get3A_439 = tpu.vector_load %get3A_437[%get3A_438] {strides = array<i32>} : memref<128xf32, #tpu.memory_space<vmem>>, vector<16xf32>,
      %get3A_440 = vector.shape_cast %get3A_439 : vector<16xf32> to vector<16xf32>
      %add3A_441 = arith.addf %add3A_433, %get3A_440 : vector<16xf32>
      %get3A_442 = arith.constant 4 : i32
      %get3A_443 = arith.constant 0 : i32
      %get3A_444 = tpu.memref_slice %arg6[%get3A_442, %get3A_443] : memref<16x128xf32, #tpu.memory_space<vmem>> -> memref<1x128xf32, #tpu.memory_space<vmem>>
      %get3A_445 = tpu.memref_squeeze %get3A_444 : memref<1x128xf32, #tpu.memory_space<vmem>> -> memref<128xf32, #tpu.memory_space<vmem>>
      %get3A_446 = arith.constant 48 : index
      %get3A_447 = tpu.vector_load %get3A_445[%get3A_446] {strides = array<i32>} : memref<128xf32, #tpu.memory_space<vmem>>, vector<16xf32>,
      %get3A_448 = vector.shape_cast %get3A_447 : vector<16xf32> to vector<16xf32>
      %add3A_449 = arith.addf %add3A_441, %get3A_448 : vector<16xf32>
      %get3A_450 = arith.constant 5 : i32
      %get3A_451 = arith.constant 0 : i32
      %get3A_452 = tpu.memref_slice %arg6[%get3A_450, %get3A_451] : memref<16x128xf32, #tpu.memory_space<vmem>> -> memref<1x128xf32, #tpu.memory_space<vmem>>
      %get3A_453 = tpu.memref_squeeze %get3A_452 : memref<1x128xf32, #tpu.memory_space<vmem>> -> memref<128xf32, #tpu.memory_space<vmem>>
      %get3A_454 = arith.constant 48 : index
      %get3A_455 = tpu.vector_load %get3A_453[%get3A_454] {strides = array<i32>} : memref<128xf32, #tpu.memory_space<vmem>>, vector<16xf32>,
      %get3A_456 = vector.shape_cast %get3A_455 : vector<16xf32> to vector<16xf32>
      %add3A_457 = arith.addf %add3A_449, %get3A_456 : vector<16xf32>
      %get3A_458 = arith.constant 6 : i32
      %get3A_459 = arith.constant 0 : i32
      %get3A_460 = tpu.memref_slice %arg6[%get3A_458, %get3A_459] : memref<16x128xf32, #tpu.memory_space<vmem>> -> memref<1x128xf32, #tpu.memory_space<vmem>>
      %get3A_461 = tpu.memref_squeeze %get3A_460 : memref<1x128xf32, #tpu.memory_space<vmem>> -> memref<128xf32, #tpu.memory_space<vmem>>
      %get3A_462 = arith.constant 48 : index
      %get3A_463 = tpu.vector_load %get3A_461[%get3A_462] {strides = array<i32>} : memref<128xf32, #tpu.memory_space<vmem>>, vector<16xf32>,
      %get3A_464 = vector.shape_cast %get3A_463 : vector<16xf32> to vector<16xf32>
      %add3A_465 = arith.addf %add3A_457, %get3A_464 : vector<16xf32>
      %get3A_466 = arith.constant 7 : i32
      %get3A_467 = arith.constant 0 : i32
      %get3A_468 = tpu.memref_slice %arg6[%get3A_466, %get3A_467] : memref<16x128xf32, #tpu.memory_space<vmem>> -> memref<1x128xf32, #tpu.memory_space<vmem>>
      %get3A_469 = tpu.memref_squeeze %get3A_468 : memref<1x128xf32, #tpu.memory_space<vmem>> -> memref<128xf32, #tpu.memory_space<vmem>>
      %get3A_470 = arith.constant 48 : index
      %get3A_471 = tpu.vector_load %get3A_469[%get3A_470] {strides = array<i32>} : memref<128xf32, #tpu.memory_space<vmem>>, vector<16xf32>,
      %get3A_472 = vector.shape_cast %get3A_471 : vector<16xf32> to vector<16xf32>
      %add3A_473 = arith.addf %add3A_465, %get3A_472 : vector<16xf32>
      %get3A_474 = arith.constant 8 : i32
      %get3A_475 = arith.constant 0 : i32
      %get3A_476 = tpu.memref_slice %arg6[%get3A_474, %get3A_475] : memref<16x128xf32, #tpu.memory_space<vmem>> -> memref<1x128xf32, #tpu.memory_space<vmem>>
      %get3A_477 = tpu.memref_squeeze %get3A_476 : memref<1x128xf32, #tpu.memory_space<vmem>> -> memref<128xf32, #tpu.memory_space<vmem>>
      %get3A_478 = arith.constant 48 : index
      %get3A_479 = tpu.vector_load %get3A_477[%get3A_478] {strides = array<i32>} : memref<128xf32, #tpu.memory_space<vmem>>, vector<16xf32>,
      %get3A_480 = vector.shape_cast %get3A_479 : vector<16xf32> to vector<16xf32>
      %add3A_481 = arith.addf %add3A_473, %get3A_480 : vector<16xf32>
      %get3A_482 = arith.constant 9 : i32
      %get3A_483 = arith.constant 0 : i32
      %get3A_484 = tpu.memref_slice %arg6[%get3A_482, %get3A_483] : memref<16x128xf32, #tpu.memory_space<vmem>> -> memref<1x128xf32, #tpu.memory_space<vmem>>
      %get3A_485 = tpu.memref_squeeze %get3A_484 : memref<1x128xf32, #tpu.memory_space<vmem>> -> memref<128xf32, #tpu.memory_space<vmem>>
      %get3A_486 = arith.constant 48 : index
      %get3A_487 = tpu.vector_load %get3A_485[%get3A_486] {strides = array<i32>} : memref<128xf32, #tpu.memory_space<vmem>>, vector<16xf32>,
      %get3A_488 = vector.shape_cast %get3A_487 : vector<16xf32> to vector<16xf32>
      %add3A_489 = arith.addf %add3A_481, %get3A_488 : vector<16xf32>
      %get3A_490 = arith.constant 10 : i32
      %get3A_491 = arith.constant 0 : i32
      %get3A_492 = tpu.memref_slice %arg6[%get3A_490, %get3A_491] : memref<16x128xf32, #tpu.memory_space<vmem>> -> memref<1x128xf32, #tpu.memory_space<vmem>>
      %get3A_493 = tpu.memref_squeeze %get3A_492 : memref<1x128xf32, #tpu.memory_space<vmem>> -> memref<128xf32, #tpu.memory_space<vmem>>
      %get3A_494 = arith.constant 48 : index
      %get3A_495 = tpu.vector_load %get3A_493[%get3A_494] {strides = array<i32>} : memref<128xf32, #tpu.memory_space<vmem>>, vector<16xf32>,
      %get3A_496 = vector.shape_cast %get3A_495 : vector<16xf32> to vector<16xf32>
      %add3A_497 = arith.addf %add3A_489, %get3A_496 : vector<16xf32>
      %get3A_498 = arith.constant 11 : i32
      %get3A_499 = arith.constant 0 : i32
      %get3A_500 = tpu.memref_slice %arg6[%get3A_498, %get3A_499] : memref<16x128xf32, #tpu.memory_space<vmem>> -> memref<1x128xf32, #tpu.memory_space<vmem>>
      %get3A_501 = tpu.memref_squeeze %get3A_500 : memref<1x128xf32, #tpu.memory_space<vmem>> -> memref<128xf32, #tpu.memory_space<vmem>>
      %get3A_502 = arith.constant 48 : index
      %get3A_503 = tpu.vector_load %get3A_501[%get3A_502] {strides = array<i32>} : memref<128xf32, #tpu.memory_space<vmem>>, vector<16xf32>,
      %get3A_504 = vector.shape_cast %get3A_503 : vector<16xf32> to vector<16xf32>
      %add3A_505 = arith.addf %add3A_497, %get3A_504 : vector<16xf32>
      %get3A_506 = arith.constant 12 : i32
      %get3A_507 = arith.constant 0 : i32
      %get3A_508 = tpu.memref_slice %arg6[%get3A_506, %get3A_507] : memref<16x128xf32, #tpu.memory_space<vmem>> -> memref<1x128xf32, #tpu.memory_space<vmem>>
      %get3A_509 = tpu.memref_squeeze %get3A_508 : memref<1x128xf32, #tpu.memory_space<vmem>> -> memref<128xf32, #tpu.memory_space<vmem>>
      %get3A_510 = arith.constant 48 : index
      %get3A_511 = tpu.vector_load %get3A_509[%get3A_510] {strides = array<i32>} : memref<128xf32, #tpu.memory_space<vmem>>, vector<16xf32>,
      %get3A_512 = vector.shape_cast %get3A_511 : vector<16xf32> to vector<16xf32>
      %add3A_513 = arith.addf %add3A_505, %get3A_512 : vector<16xf32>
      %get3A_514 = arith.constant 13 : i32
      %get3A_515 = arith.constant 0 : i32
      %get3A_516 = tpu.memref_slice %arg6[%get3A_514, %get3A_515] : memref<16x128xf32, #tpu.memory_space<vmem>> -> memref<1x128xf32, #tpu.memory_space<vmem>>
      %get3A_517 = tpu.memref_squeeze %get3A_516 : memref<1x128xf32, #tpu.memory_space<vmem>> -> memref<128xf32, #tpu.memory_space<vmem>>
      %get3A_518 = arith.constant 48 : index
      %get3A_519 = tpu.vector_load %get3A_517[%get3A_518] {strides = array<i32>} : memref<128xf32, #tpu.memory_space<vmem>>, vector<16xf32>,
      %get3A_520 = vector.shape_cast %get3A_519 : vector<16xf32> to vector<16xf32>
      %add3A_521 = arith.addf %add3A_513, %get3A_520 : vector<16xf32>
      %get3A_522 = arith.constant 14 : i32
      %get3A_523 = arith.constant 0 : i32
      %get3A_524 = tpu.memref_slice %arg6[%get3A_522, %get3A_523] : memref<16x128xf32, #tpu.memory_space<vmem>> -> memref<1x128xf32, #tpu.memory_space<vmem>>
      %get3A_525 = tpu.memref_squeeze %get3A_524 : memref<1x128xf32, #tpu.memory_space<vmem>> -> memref<128xf32, #tpu.memory_space<vmem>>
      %get3A_526 = arith.constant 48 : index
      %get3A_527 = tpu.vector_load %get3A_525[%get3A_526] {strides = array<i32>} : memref<128xf32, #tpu.memory_space<vmem>>, vector<16xf32>,
      %get3A_528 = vector.shape_cast %get3A_527 : vector<16xf32> to vector<16xf32>
      %add3A_529 = arith.addf %add3A_521, %get3A_528 : vector<16xf32>
      %get3A_530 = arith.constant 15 : i32
      %get3A_531 = arith.constant 0 : i32
      %get3A_532 = tpu.memref_slice %arg6[%get3A_530, %get3A_531] : memref<16x128xf32, #tpu.memory_space<vmem>> -> memref<1x128xf32, #tpu.memory_space<vmem>>
      %get3A_533 = tpu.memref_squeeze %get3A_532 : memref<1x128xf32, #tpu.memory_space<vmem>> -> memref<128xf32, #tpu.memory_space<vmem>>
      %get3A_534 = arith.constant 48 : index
      %get3A_535 = tpu.vector_load %get3A_533[%get3A_534] {strides = array<i32>} : memref<128xf32, #tpu.memory_space<vmem>>, vector<16xf32>,
      %get3A_536 = vector.shape_cast %get3A_535 : vector<16xf32> to vector<16xf32>
      %add3A_537 = arith.addf %add3A_529, %get3A_536 : vector<16xf32>
      %swap3A_538 = arith.constant 0 : i32
      %swap3A_539 = arith.index_cast %swap3A_538 : i32 to index
      %swap3A_540 = arith.constant 48 : index
      %swap3A_541 = tpu.vector_load %arg7[%swap3A_539, %swap3A_540] {strides = array<i32>} : memref<1x128xf32, #tpu.memory_space<vmem>>, vector<1x16xf32>,
      %swap3A_542 = vector.shape_cast %swap3A_541 : vector<1x16xf32> to vector<16xf32>
      %swap3A_543 = vector.shape_cast %add3A_537 : vector<16xf32> to vector<1x16xf32>
      tpu.vector_store %arg7[%swap3A_539, %swap3A_540], %swap3A_543 {strides = array<i32>} : memref<1x128xf32, #tpu.memory_space<vmem>>, vector<1x16xf32>,
      %get3A_544 = arith.constant 0 : i32
      %get3A_545 = arith.constant 0 : i32
      %get3A_546 = tpu.memref_slice %arg6[%get3A_544, %get3A_545] : memref<16x128xf32, #tpu.memory_space<vmem>> -> memref<1x128xf32, #tpu.memory_space<vmem>>
      %get3A_547 = tpu.memref_squeeze %get3A_546 : memref<1x128xf32, #tpu.memory_space<vmem>> -> memref<128xf32, #tpu.memory_space<vmem>>
      %get3A_548 = arith.constant 64 : index
      %get3A_549 = tpu.vector_load %get3A_547[%get3A_548] {strides = array<i32>} : memref<128xf32, #tpu.memory_space<vmem>>, vector<16xf32>,
      %get3A_550 = vector.shape_cast %get3A_549 : vector<16xf32> to vector<16xf32>
      %get3A_551 = arith.constant 1 : i32
      %get3A_552 = arith.constant 0 : i32
      %get3A_553 = tpu.memref_slice %arg6[%get3A_551, %get3A_552] : memref<16x128xf32, #tpu.memory_space<vmem>> -> memref<1x128xf32, #tpu.memory_space<vmem>>
      %get3A_554 = tpu.memref_squeeze %get3A_553 : memref<1x128xf32, #tpu.memory_space<vmem>> -> memref<128xf32, #tpu.memory_space<vmem>>
      %get3A_555 = arith.constant 64 : index
      %get3A_556 = tpu.vector_load %get3A_554[%get3A_555] {strides = array<i32>} : memref<128xf32, #tpu.memory_space<vmem>>, vector<16xf32>,
      %get3A_557 = vector.shape_cast %get3A_556 : vector<16xf32> to vector<16xf32>
      %add3A_558 = arith.addf %get3A_550, %get3A_557 : vector<16xf32>
      %get3A_559 = arith.constant 2 : i32
      %get3A_560 = arith.constant 0 : i32
      %get3A_561 = tpu.memref_slice %arg6[%get3A_559, %get3A_560] : memref<16x128xf32, #tpu.memory_space<vmem>> -> memref<1x128xf32, #tpu.memory_space<vmem>>
      %get3A_562 = tpu.memref_squeeze %get3A_561 : memref<1x128xf32, #tpu.memory_space<vmem>> -> memref<128xf32, #tpu.memory_space<vmem>>
      %get3A_563 = arith.constant 64 : index
      %get3A_564 = tpu.vector_load %get3A_562[%get3A_563] {strides = array<i32>} : memref<128xf32, #tpu.memory_space<vmem>>, vector<16xf32>,
      %get3A_565 = vector.shape_cast %get3A_564 : vector<16xf32> to vector<16xf32>
      %add3A_566 = arith.addf %add3A_558, %get3A_565 : vector<16xf32>
      %get3A_567 = arith.constant 3 : i32
      %get3A_568 = arith.constant 0 : i32
      %get3A_569 = tpu.memref_slice %arg6[%get3A_567, %get3A_568] : memref<16x128xf32, #tpu.memory_space<vmem>> -> memref<1x128xf32, #tpu.memory_space<vmem>>
      %get3A_570 = tpu.memref_squeeze %get3A_569 : memref<1x128xf32, #tpu.memory_space<vmem>> -> memref<128xf32, #tpu.memory_space<vmem>>
      %get3A_571 = arith.constant 64 : index
      %get3A_572 = tpu.vector_load %get3A_570[%get3A_571] {strides = array<i32>} : memref<128xf32, #tpu.memory_space<vmem>>, vector<16xf32>,
      %get3A_573 = vector.shape_cast %get3A_572 : vector<16xf32> to vector<16xf32>
      %add3A_574 = arith.addf %add3A_566, %get3A_573 : vector<16xf32>
      %get3A_575 = arith.constant 4 : i32
      %get3A_576 = arith.constant 0 : i32
      %get3A_577 = tpu.memref_slice %arg6[%get3A_575, %get3A_576] : memref<16x128xf32, #tpu.memory_space<vmem>> -> memref<1x128xf32, #tpu.memory_space<vmem>>
      %get3A_578 = tpu.memref_squeeze %get3A_577 : memref<1x128xf32, #tpu.memory_space<vmem>> -> memref<128xf32, #tpu.memory_space<vmem>>
      %get3A_579 = arith.constant 64 : index
      %get3A_580 = tpu.vector_load %get3A_578[%get3A_579] {strides = array<i32>} : memref<128xf32, #tpu.memory_space<vmem>>, vector<16xf32>,
      %get3A_581 = vector.shape_cast %get3A_580 : vector<16xf32> to vector<16xf32>
      %add3A_582 = arith.addf %add3A_574, %get3A_581 : vector<16xf32>
      %get3A_583 = arith.constant 5 : i32
      %get3A_584 = arith.constant 0 : i32
      %get3A_585 = tpu.memref_slice %arg6[%get3A_583, %get3A_584] : memref<16x128xf32, #tpu.memory_space<vmem>> -> memref<1x128xf32, #tpu.memory_space<vmem>>
      %get3A_586 = tpu.memref_squeeze %get3A_585 : memref<1x128xf32, #tpu.memory_space<vmem>> -> memref<128xf32, #tpu.memory_space<vmem>>
      %get3A_587 = arith.constant 64 : index
      %get3A_588 = tpu.vector_load %get3A_586[%get3A_587] {strides = array<i32>} : memref<128xf32, #tpu.memory_space<vmem>>, vector<16xf32>,
      %get3A_589 = vector.shape_cast %get3A_588 : vector<16xf32> to vector<16xf32>
      %add3A_590 = arith.addf %add3A_582, %get3A_589 : vector<16xf32>
      %get3A_591 = arith.constant 6 : i32
      %get3A_592 = arith.constant 0 : i32
      %get3A_593 = tpu.memref_slice %arg6[%get3A_591, %get3A_592] : memref<16x128xf32, #tpu.memory_space<vmem>> -> memref<1x128xf32, #tpu.memory_space<vmem>>
      %get3A_594 = tpu.memref_squeeze %get3A_593 : memref<1x128xf32, #tpu.memory_space<vmem>> -> memref<128xf32, #tpu.memory_space<vmem>>
      %get3A_595 = arith.constant 64 : index
      %get3A_596 = tpu.vector_load %get3A_594[%get3A_595] {strides = array<i32>} : memref<128xf32, #tpu.memory_space<vmem>>, vector<16xf32>,
      %get3A_597 = vector.shape_cast %get3A_596 : vector<16xf32> to vector<16xf32>
      %add3A_598 = arith.addf %add3A_590, %get3A_597 : vector<16xf32>
      %get3A_599 = arith.constant 7 : i32
      %get3A_600 = arith.constant 0 : i32
      %get3A_601 = tpu.memref_slice %arg6[%get3A_599, %get3A_600] : memref<16x128xf32, #tpu.memory_space<vmem>> -> memref<1x128xf32, #tpu.memory_space<vmem>>
      %get3A_602 = tpu.memref_squeeze %get3A_601 : memref<1x128xf32, #tpu.memory_space<vmem>> -> memref<128xf32, #tpu.memory_space<vmem>>
      %get3A_603 = arith.constant 64 : index
      %get3A_604 = tpu.vector_load %get3A_602[%get3A_603] {strides = array<i32>} : memref<128xf32, #tpu.memory_space<vmem>>, vector<16xf32>,
      %get3A_605 = vector.shape_cast %get3A_604 : vector<16xf32> to vector<16xf32>
      %add3A_606 = arith.addf %add3A_598, %get3A_605 : vector<16xf32>
      %get3A_607 = arith.constant 8 : i32
      %get3A_608 = arith.constant 0 : i32
      %get3A_609 = tpu.memref_slice %arg6[%get3A_607, %get3A_608] : memref<16x128xf32, #tpu.memory_space<vmem>> -> memref<1x128xf32, #tpu.memory_space<vmem>>
      %get3A_610 = tpu.memref_squeeze %get3A_609 : memref<1x128xf32, #tpu.memory_space<vmem>> -> memref<128xf32, #tpu.memory_space<vmem>>
      %get3A_611 = arith.constant 64 : index
      %get3A_612 = tpu.vector_load %get3A_610[%get3A_611] {strides = array<i32>} : memref<128xf32, #tpu.memory_space<vmem>>, vector<16xf32>,
      %get3A_613 = vector.shape_cast %get3A_612 : vector<16xf32> to vector<16xf32>
      %add3A_614 = arith.addf %add3A_606, %get3A_613 : vector<16xf32>
      %get3A_615 = arith.constant 9 : i32
      %get3A_616 = arith.constant 0 : i32
      %get3A_617 = tpu.memref_slice %arg6[%get3A_615, %get3A_616] : memref<16x128xf32, #tpu.memory_space<vmem>> -> memref<1x128xf32, #tpu.memory_space<vmem>>
      %get3A_618 = tpu.memref_squeeze %get3A_617 : memref<1x128xf32, #tpu.memory_space<vmem>> -> memref<128xf32, #tpu.memory_space<vmem>>
      %get3A_619 = arith.constant 64 : index
      %get3A_620 = tpu.vector_load %get3A_618[%get3A_619] {strides = array<i32>} : memref<128xf32, #tpu.memory_space<vmem>>, vector<16xf32>,
      %get3A_621 = vector.shape_cast %get3A_620 : vector<16xf32> to vector<16xf32>
      %add3A_622 = arith.addf %add3A_614, %get3A_621 : vector<16xf32>
      %get3A_623 = arith.constant 10 : i32
      %get3A_624 = arith.constant 0 : i32
      %get3A_625 = tpu.memref_slice %arg6[%get3A_623, %get3A_624] : memref<16x128xf32, #tpu.memory_space<vmem>> -> memref<1x128xf32, #tpu.memory_space<vmem>>
      %get3A_626 = tpu.memref_squeeze %get3A_625 : memref<1x128xf32, #tpu.memory_space<vmem>> -> memref<128xf32, #tpu.memory_space<vmem>>
      %get3A_627 = arith.constant 64 : index
      %get3A_628 = tpu.vector_load %get3A_626[%get3A_627] {strides = array<i32>} : memref<128xf32, #tpu.memory_space<vmem>>, vector<16xf32>,
      %get3A_629 = vector.shape_cast %get3A_628 : vector<16xf32> to vector<16xf32>
      %add3A_630 = arith.addf %add3A_622, %get3A_629 : vector<16xf32>
      %get3A_631 = arith.constant 11 : i32
      %get3A_632 = arith.constant 0 : i32
      %get3A_633 = tpu.memref_slice %arg6[%get3A_631, %get3A_632] : memref<16x128xf32, #tpu.memory_space<vmem>> -> memref<1x128xf32, #tpu.memory_space<vmem>>
      %get3A_634 = tpu.memref_squeeze %get3A_633 : memref<1x128xf32, #tpu.memory_space<vmem>> -> memref<128xf32, #tpu.memory_space<vmem>>
      %get3A_635 = arith.constant 64 : index
      %get3A_636 = tpu.vector_load %get3A_634[%get3A_635] {strides = array<i32>} : memref<128xf32, #tpu.memory_space<vmem>>, vector<16xf32>,
      %get3A_637 = vector.shape_cast %get3A_636 : vector<16xf32> to vector<16xf32>
      %add3A_638 = arith.addf %add3A_630, %get3A_637 : vector<16xf32>
      %get3A_639 = arith.constant 12 : i32
      %get3A_640 = arith.constant 0 : i32
      %get3A_641 = tpu.memref_slice %arg6[%get3A_639, %get3A_640] : memref<16x128xf32, #tpu.memory_space<vmem>> -> memref<1x128xf32, #tpu.memory_space<vmem>>
      %get3A_642 = tpu.memref_squeeze %get3A_641 : memref<1x128xf32, #tpu.memory_space<vmem>> -> memref<128xf32, #tpu.memory_space<vmem>>
      %get3A_643 = arith.constant 64 : index
      %get3A_644 = tpu.vector_load %get3A_642[%get3A_643] {strides = array<i32>} : memref<128xf32, #tpu.memory_space<vmem>>, vector<16xf32>,
      %get3A_645 = vector.shape_cast %get3A_644 : vector<16xf32> to vector<16xf32>
      %add3A_646 = arith.addf %add3A_638, %get3A_645 : vector<16xf32>
      %get3A_647 = arith.constant 13 : i32
      %get3A_648 = arith.constant 0 : i32
      %get3A_649 = tpu.memref_slice %arg6[%get3A_647, %get3A_648] : memref<16x128xf32, #tpu.memory_space<vmem>> -> memref<1x128xf32, #tpu.memory_space<vmem>>
      %get3A_650 = tpu.memref_squeeze %get3A_649 : memref<1x128xf32, #tpu.memory_space<vmem>> -> memref<128xf32, #tpu.memory_space<vmem>>
      %get3A_651 = arith.constant 64 : index
      %get3A_652 = tpu.vector_load %get3A_650[%get3A_651] {strides = array<i32>} : memref<128xf32, #tpu.memory_space<vmem>>, vector<16xf32>,
      %get3A_653 = vector.shape_cast %get3A_652 : vector<16xf32> to vector<16xf32>
      %add3A_654 = arith.addf %add3A_646, %get3A_653 : vector<16xf32>
      %get3A_655 = arith.constant 14 : i32
      %get3A_656 = arith.constant 0 : i32
      %get3A_657 = tpu.memref_slice %arg6[%get3A_655, %get3A_656] : memref<16x128xf32, #tpu.memory_space<vmem>> -> memref<1x128xf32, #tpu.memory_space<vmem>>
      %get3A_658 = tpu.memref_squeeze %get3A_657 : memref<1x128xf32, #tpu.memory_space<vmem>> -> memref<128xf32, #tpu.memory_space<vmem>>
      %get3A_659 = arith.constant 64 : index
      %get3A_660 = tpu.vector_load %get3A_658[%get3A_659] {strides = array<i32>} : memref<128xf32, #tpu.memory_space<vmem>>, vector<16xf32>,
      %get3A_661 = vector.shape_cast %get3A_660 : vector<16xf32> to vector<16xf32>
      %add3A_662 = arith.addf %add3A_654, %get3A_661 : vector<16xf32>
      %get3A_663 = arith.constant 15 : i32
      %get3A_664 = arith.constant 0 : i32
      %get3A_665 = tpu.memref_slice %arg6[%get3A_663, %get3A_664] : memref<16x128xf32, #tpu.memory_space<vmem>> -> memref<1x128xf32, #tpu.memory_space<vmem>>
      %get3A_666 = tpu.memref_squeeze %get3A_665 : memref<1x128xf32, #tpu.memory_space<vmem>> -> memref<128xf32, #tpu.memory_space<vmem>>
      %get3A_667 = arith.constant 64 : index
      %get3A_668 = tpu.vector_load %get3A_666[%get3A_667] {strides = array<i32>} : memref<128xf32, #tpu.memory_space<vmem>>, vector<16xf32>,
      %get3A_669 = vector.shape_cast %get3A_668 : vector<16xf32> to vector<16xf32>
      %add3A_670 = arith.addf %add3A_662, %get3A_669 : vector<16xf32>
      %swap3A_671 = arith.constant 0 : i32
      %swap3A_672 = arith.index_cast %swap3A_671 : i32 to index
      %swap3A_673 = arith.constant 64 : index
      %swap3A_674 = tpu.vector_load %arg7[%swap3A_672, %swap3A_673] {strides = array<i32>} : memref<1x128xf32, #tpu.memory_space<vmem>>, vector<1x16xf32>,
      %swap3A_675 = vector.shape_cast %swap3A_674 : vector<1x16xf32> to vector<16xf32>
      %swap3A_676 = vector.shape_cast %add3A_670 : vector<16xf32> to vector<1x16xf32>
      tpu.vector_store %arg7[%swap3A_672, %swap3A_673], %swap3A_676 {strides = array<i32>} : memref<1x128xf32, #tpu.memory_space<vmem>>, vector<1x16xf32>,
      %get3A_677 = arith.constant 0 : i32
      %get3A_678 = arith.constant 0 : i32
      %get3A_679 = tpu.memref_slice %arg6[%get3A_677, %get3A_678] : memref<16x128xf32, #tpu.memory_space<vmem>> -> memref<1x128xf32, #tpu.memory_space<vmem>>
      %get3A_680 = tpu.memref_squeeze %get3A_679 : memref<1x128xf32, #tpu.memory_space<vmem>> -> memref<128xf32, #tpu.memory_space<vmem>>
      %get3A_681 = arith.constant 80 : index
      %get3A_682 = tpu.vector_load %get3A_680[%get3A_681] {strides = array<i32>} : memref<128xf32, #tpu.memory_space<vmem>>, vector<16xf32>,
      %get3A_683 = vector.shape_cast %get3A_682 : vector<16xf32> to vector<16xf32>
      %get3A_684 = arith.constant 1 : i32
      %get3A_685 = arith.constant 0 : i32
      %get3A_686 = tpu.memref_slice %arg6[%get3A_684, %get3A_685] : memref<16x128xf32, #tpu.memory_space<vmem>> -> memref<1x128xf32, #tpu.memory_space<vmem>>
      %get3A_687 = tpu.memref_squeeze %get3A_686 : memref<1x128xf32, #tpu.memory_space<vmem>> -> memref<128xf32, #tpu.memory_space<vmem>>
      %get3A_688 = arith.constant 80 : index
      %get3A_689 = tpu.vector_load %get3A_687[%get3A_688] {strides = array<i32>} : memref<128xf32, #tpu.memory_space<vmem>>, vector<16xf32>,
      %get3A_690 = vector.shape_cast %get3A_689 : vector<16xf32> to vector<16xf32>
      %add3A_691 = arith.addf %get3A_683, %get3A_690 : vector<16xf32>
      %get3A_692 = arith.constant 2 : i32
      %get3A_693 = arith.constant 0 : i32
      %get3A_694 = tpu.memref_slice %arg6[%get3A_692, %get3A_693] : memref<16x128xf32, #tpu.memory_space<vmem>> -> memref<1x128xf32, #tpu.memory_space<vmem>>
      %get3A_695 = tpu.memref_squeeze %get3A_694 : memref<1x128xf32, #tpu.memory_space<vmem>> -> memref<128xf32, #tpu.memory_space<vmem>>
      %get3A_696 = arith.constant 80 : index
      %get3A_697 = tpu.vector_load %get3A_695[%get3A_696] {strides = array<i32>} : memref<128xf32, #tpu.memory_space<vmem>>, vector<16xf32>,
      %get3A_698 = vector.shape_cast %get3A_697 : vector<16xf32> to vector<16xf32>
      %add3A_699 = arith.addf %add3A_691, %get3A_698 : vector<16xf32>
      %get3A_700 = arith.constant 3 : i32
      %get3A_701 = arith.constant 0 : i32
      %get3A_702 = tpu.memref_slice %arg6[%get3A_700, %get3A_701] : memref<16x128xf32, #tpu.memory_space<vmem>> -> memref<1x128xf32, #tpu.memory_space<vmem>>
      %get3A_703 = tpu.memref_squeeze %get3A_702 : memref<1x128xf32, #tpu.memory_space<vmem>> -> memref<128xf32, #tpu.memory_space<vmem>>
      %get3A_704 = arith.constant 80 : index
      %get3A_705 = tpu.vector_load %get3A_703[%get3A_704] {strides = array<i32>} : memref<128xf32, #tpu.memory_space<vmem>>, vector<16xf32>,
      %get3A_706 = vector.shape_cast %get3A_705 : vector<16xf32> to vector<16xf32>
      %add3A_707 = arith.addf %add3A_699, %get3A_706 : vector<16xf32>
      %get3A_708 = arith.constant 4 : i32
      %get3A_709 = arith.constant 0 : i32
      %get3A_710 = tpu.memref_slice %arg6[%get3A_708, %get3A_709] : memref<16x128xf32, #tpu.memory_space<vmem>> -> memref<1x128xf32, #tpu.memory_space<vmem>>
      %get3A_711 = tpu.memref_squeeze %get3A_710 : memref<1x128xf32, #tpu.memory_space<vmem>> -> memref<128xf32, #tpu.memory_space<vmem>>
      %get3A_712 = arith.constant 80 : index
      %get3A_713 = tpu.vector_load %get3A_711[%get3A_712] {strides = array<i32>} : memref<128xf32, #tpu.memory_space<vmem>>, vector<16xf32>,
      %get3A_714 = vector.shape_cast %get3A_713 : vector<16xf32> to vector<16xf32>
      %add3A_715 = arith.addf %add3A_707, %get3A_714 : vector<16xf32>
      %get3A_716 = arith.constant 5 : i32
      %get3A_717 = arith.constant 0 : i32
      %get3A_718 = tpu.memref_slice %arg6[%get3A_716, %get3A_717] : memref<16x128xf32, #tpu.memory_space<vmem>> -> memref<1x128xf32, #tpu.memory_space<vmem>>
      %get3A_719 = tpu.memref_squeeze %get3A_718 : memref<1x128xf32, #tpu.memory_space<vmem>> -> memref<128xf32, #tpu.memory_space<vmem>>
      %get3A_720 = arith.constant 80 : index
      %get3A_721 = tpu.vector_load %get3A_719[%get3A_720] {strides = array<i32>} : memref<128xf32, #tpu.memory_space<vmem>>, vector<16xf32>,
      %get3A_722 = vector.shape_cast %get3A_721 : vector<16xf32> to vector<16xf32>
      %add3A_723 = arith.addf %add3A_715, %get3A_722 : vector<16xf32>
      %get3A_724 = arith.constant 6 : i32
      %get3A_725 = arith.constant 0 : i32
      %get3A_726 = tpu.memref_slice %arg6[%get3A_724, %get3A_725] : memref<16x128xf32, #tpu.memory_space<vmem>> -> memref<1x128xf32, #tpu.memory_space<vmem>>
      %get3A_727 = tpu.memref_squeeze %get3A_726 : memref<1x128xf32, #tpu.memory_space<vmem>> -> memref<128xf32, #tpu.memory_space<vmem>>
      %get3A_728 = arith.constant 80 : index
      %get3A_729 = tpu.vector_load %get3A_727[%get3A_728] {strides = array<i32>} : memref<128xf32, #tpu.memory_space<vmem>>, vector<16xf32>,
      %get3A_730 = vector.shape_cast %get3A_729 : vector<16xf32> to vector<16xf32>
      %add3A_731 = arith.addf %add3A_723, %get3A_730 : vector<16xf32>
      %get3A_732 = arith.constant 7 : i32
      %get3A_733 = arith.constant 0 : i32
      %get3A_734 = tpu.memref_slice %arg6[%get3A_732, %get3A_733] : memref<16x128xf32, #tpu.memory_space<vmem>> -> memref<1x128xf32, #tpu.memory_space<vmem>>
      %get3A_735 = tpu.memref_squeeze %get3A_734 : memref<1x128xf32, #tpu.memory_space<vmem>> -> memref<128xf32, #tpu.memory_space<vmem>>
      %get3A_736 = arith.constant 80 : index
      %get3A_737 = tpu.vector_load %get3A_735[%get3A_736] {strides = array<i32>} : memref<128xf32, #tpu.memory_space<vmem>>, vector<16xf32>,
      %get3A_738 = vector.shape_cast %get3A_737 : vector<16xf32> to vector<16xf32>
      %add3A_739 = arith.addf %add3A_731, %get3A_738 : vector<16xf32>
      %get3A_740 = arith.constant 8 : i32
      %get3A_741 = arith.constant 0 : i32
      %get3A_742 = tpu.memref_slice %arg6[%get3A_740, %get3A_741] : memref<16x128xf32, #tpu.memory_space<vmem>> -> memref<1x128xf32, #tpu.memory_space<vmem>>
      %get3A_743 = tpu.memref_squeeze %get3A_742 : memref<1x128xf32, #tpu.memory_space<vmem>> -> memref<128xf32, #tpu.memory_space<vmem>>
      %get3A_744 = arith.constant 80 : index
      %get3A_745 = tpu.vector_load %get3A_743[%get3A_744] {strides = array<i32>} : memref<128xf32, #tpu.memory_space<vmem>>, vector<16xf32>,
      %get3A_746 = vector.shape_cast %get3A_745 : vector<16xf32> to vector<16xf32>
      %add3A_747 = arith.addf %add3A_739, %get3A_746 : vector<16xf32>
      %get3A_748 = arith.constant 9 : i32
      %get3A_749 = arith.constant 0 : i32
      %get3A_750 = tpu.memref_slice %arg6[%get3A_748, %get3A_749] : memref<16x128xf32, #tpu.memory_space<vmem>> -> memref<1x128xf32, #tpu.memory_space<vmem>>
      %get3A_751 = tpu.memref_squeeze %get3A_750 : memref<1x128xf32, #tpu.memory_space<vmem>> -> memref<128xf32, #tpu.memory_space<vmem>>
      %get3A_752 = arith.constant 80 : index
      %get3A_753 = tpu.vector_load %get3A_751[%get3A_752] {strides = array<i32>} : memref<128xf32, #tpu.memory_space<vmem>>, vector<16xf32>,
      %get3A_754 = vector.shape_cast %get3A_753 : vector<16xf32> to vector<16xf32>
      %add3A_755 = arith.addf %add3A_747, %get3A_754 : vector<16xf32>
      %get3A_756 = arith.constant 10 : i32
      %get3A_757 = arith.constant 0 : i32
      %get3A_758 = tpu.memref_slice %arg6[%get3A_756, %get3A_757] : memref<16x128xf32, #tpu.memory_space<vmem>> -> memref<1x128xf32, #tpu.memory_space<vmem>>
      %get3A_759 = tpu.memref_squeeze %get3A_758 : memref<1x128xf32, #tpu.memory_space<vmem>> -> memref<128xf32, #tpu.memory_space<vmem>>
      %get3A_760 = arith.constant 80 : index
      %get3A_761 = tpu.vector_load %get3A_759[%get3A_760] {strides = array<i32>} : memref<128xf32, #tpu.memory_space<vmem>>, vector<16xf32>,
      %get3A_762 = vector.shape_cast %get3A_761 : vector<16xf32> to vector<16xf32>
      %add3A_763 = arith.addf %add3A_755, %get3A_762 : vector<16xf32>
      %get3A_764 = arith.constant 11 : i32
      %get3A_765 = arith.constant 0 : i32
      %get3A_766 = tpu.memref_slice %arg6[%get3A_764, %get3A_765] : memref<16x128xf32, #tpu.memory_space<vmem>> -> memref<1x128xf32, #tpu.memory_space<vmem>>
      %get3A_767 = tpu.memref_squeeze %get3A_766 : memref<1x128xf32, #tpu.memory_space<vmem>> -> memref<128xf32, #tpu.memory_space<vmem>>
      %get3A_768 = arith.constant 80 : index
      %get3A_769 = tpu.vector_load %get3A_767[%get3A_768] {strides = array<i32>} : memref<128xf32, #tpu.memory_space<vmem>>, vector<16xf32>,
      %get3A_770 = vector.shape_cast %get3A_769 : vector<16xf32> to vector<16xf32>
      %add3A_771 = arith.addf %add3A_763, %get3A_770 : vector<16xf32>
      %get3A_772 = arith.constant 12 : i32
      %get3A_773 = arith.constant 0 : i32
      %get3A_774 = tpu.memref_slice %arg6[%get3A_772, %get3A_773] : memref<16x128xf32, #tpu.memory_space<vmem>> -> memref<1x128xf32, #tpu.memory_space<vmem>>
      %get3A_775 = tpu.memref_squeeze %get3A_774 : memref<1x128xf32, #tpu.memory_space<vmem>> -> memref<128xf32, #tpu.memory_space<vmem>>
      %get3A_776 = arith.constant 80 : index
      %get3A_777 = tpu.vector_load %get3A_775[%get3A_776] {strides = array<i32>} : memref<128xf32, #tpu.memory_space<vmem>>, vector<16xf32>,
      %get3A_778 = vector.shape_cast %get3A_777 : vector<16xf32> to vector<16xf32>
      %add3A_779 = arith.addf %add3A_771, %get3A_778 : vector<16xf32>
      %get3A_780 = arith.constant 13 : i32
      %get3A_781 = arith.constant 0 : i32
      %get3A_782 = tpu.memref_slice %arg6[%get3A_780, %get3A_781] : memref<16x128xf32, #tpu.memory_space<vmem>> -> memref<1x128xf32, #tpu.memory_space<vmem>>
      %get3A_783 = tpu.memref_squeeze %get3A_782 : memref<1x128xf32, #tpu.memory_space<vmem>> -> memref<128xf32, #tpu.memory_space<vmem>>
      %get3A_784 = arith.constant 80 : index
      %get3A_785 = tpu.vector_load %get3A_783[%get3A_784] {strides = array<i32>} : memref<128xf32, #tpu.memory_space<vmem>>, vector<16xf32>,
      %get3A_786 = vector.shape_cast %get3A_785 : vector<16xf32> to vector<16xf32>
      %add3A_787 = arith.addf %add3A_779, %get3A_786 : vector<16xf32>
      %get3A_788 = arith.constant 14 : i32
      %get3A_789 = arith.constant 0 : i32
      %get3A_790 = tpu.memref_slice %arg6[%get3A_788, %get3A_789] : memref<16x128xf32, #tpu.memory_space<vmem>> -> memref<1x128xf32, #tpu.memory_space<vmem>>
      %get3A_791 = tpu.memref_squeeze %get3A_790 : memref<1x128xf32, #tpu.memory_space<vmem>> -> memref<128xf32, #tpu.memory_space<vmem>>
      %get3A_792 = arith.constant 80 : index
      %get3A_793 = tpu.vector_load %get3A_791[%get3A_792] {strides = array<i32>} : memref<128xf32, #tpu.memory_space<vmem>>, vector<16xf32>,
      %get3A_794 = vector.shape_cast %get3A_793 : vector<16xf32> to vector<16xf32>
      %add3A_795 = arith.addf %add3A_787, %get3A_794 : vector<16xf32>
      %get3A_796 = arith.constant 15 : i32
      %get3A_797 = arith.constant 0 : i32
      %get3A_798 = tpu.memref_slice %arg6[%get3A_796, %get3A_797] : memref<16x128xf32, #tpu.memory_space<vmem>> -> memref<1x128xf32, #tpu.memory_space<vmem>>
      %get3A_799 = tpu.memref_squeeze %get3A_798 : memref<1x128xf32, #tpu.memory_space<vmem>> -> memref<128xf32, #tpu.memory_space<vmem>>
      %get3A_800 = arith.constant 80 : index
      %get3A_801 = tpu.vector_load %get3A_799[%get3A_800] {strides = array<i32>} : memref<128xf32, #tpu.memory_space<vmem>>, vector<16xf32>,
      %get3A_802 = vector.shape_cast %get3A_801 : vector<16xf32> to vector<16xf32>
      %add3A_803 = arith.addf %add3A_795, %get3A_802 : vector<16xf32>
      %swap3A_804 = arith.constant 0 : i32
      %swap3A_805 = arith.index_cast %swap3A_804 : i32 to index
      %swap3A_806 = arith.constant 80 : index
      %swap3A_807 = tpu.vector_load %arg7[%swap3A_805, %swap3A_806] {strides = array<i32>} : memref<1x128xf32, #tpu.memory_space<vmem>>, vector<1x16xf32>,
      %swap3A_808 = vector.shape_cast %swap3A_807 : vector<1x16xf32> to vector<16xf32>
      %swap3A_809 = vector.shape_cast %add3A_803 : vector<16xf32> to vector<1x16xf32>
      tpu.vector_store %arg7[%swap3A_805, %swap3A_806], %swap3A_809 {strides = array<i32>} : memref<1x128xf32, #tpu.memory_space<vmem>>, vector<1x16xf32>,
      %get3A_810 = arith.constant 0 : i32
      %get3A_811 = arith.constant 0 : i32
      %get3A_812 = tpu.memref_slice %arg6[%get3A_810, %get3A_811] : memref<16x128xf32, #tpu.memory_space<vmem>> -> memref<1x128xf32, #tpu.memory_space<vmem>>
      %get3A_813 = tpu.memref_squeeze %get3A_812 : memref<1x128xf32, #tpu.memory_space<vmem>> -> memref<128xf32, #tpu.memory_space<vmem>>
      %get3A_814 = arith.constant 96 : index
      %get3A_815 = tpu.vector_load %get3A_813[%get3A_814] {strides = array<i32>} : memref<128xf32, #tpu.memory_space<vmem>>, vector<16xf32>,
      %get3A_816 = vector.shape_cast %get3A_815 : vector<16xf32> to vector<16xf32>
      %get3A_817 = arith.constant 1 : i32
      %get3A_818 = arith.constant 0 : i32
      %get3A_819 = tpu.memref_slice %arg6[%get3A_817, %get3A_818] : memref<16x128xf32, #tpu.memory_space<vmem>> -> memref<1x128xf32, #tpu.memory_space<vmem>>
      %get3A_820 = tpu.memref_squeeze %get3A_819 : memref<1x128xf32, #tpu.memory_space<vmem>> -> memref<128xf32, #tpu.memory_space<vmem>>
      %get3A_821 = arith.constant 96 : index
      %get3A_822 = tpu.vector_load %get3A_820[%get3A_821] {strides = array<i32>} : memref<128xf32, #tpu.memory_space<vmem>>, vector<16xf32>,
      %get3A_823 = vector.shape_cast %get3A_822 : vector<16xf32> to vector<16xf32>
      %add3A_824 = arith.addf %get3A_816, %get3A_823 : vector<16xf32>
      %get3A_825 = arith.constant 2 : i32
      %get3A_826 = arith.constant 0 : i32
      %get3A_827 = tpu.memref_slice %arg6[%get3A_825, %get3A_826] : memref<16x128xf32, #tpu.memory_space<vmem>> -> memref<1x128xf32, #tpu.memory_space<vmem>>
      %get3A_828 = tpu.memref_squeeze %get3A_827 : memref<1x128xf32, #tpu.memory_space<vmem>> -> memref<128xf32, #tpu.memory_space<vmem>>
      %get3A_829 = arith.constant 96 : index
      %get3A_830 = tpu.vector_load %get3A_828[%get3A_829] {strides = array<i32>} : memref<128xf32, #tpu.memory_space<vmem>>, vector<16xf32>,
      %get3A_831 = vector.shape_cast %get3A_830 : vector<16xf32> to vector<16xf32>
      %add3A_832 = arith.addf %add3A_824, %get3A_831 : vector<16xf32>
      %get3A_833 = arith.constant 3 : i32
      %get3A_834 = arith.constant 0 : i32
      %get3A_835 = tpu.memref_slice %arg6[%get3A_833, %get3A_834] : memref<16x128xf32, #tpu.memory_space<vmem>> -> memref<1x128xf32, #tpu.memory_space<vmem>>
      %get3A_836 = tpu.memref_squeeze %get3A_835 : memref<1x128xf32, #tpu.memory_space<vmem>> -> memref<128xf32, #tpu.memory_space<vmem>>
      %get3A_837 = arith.constant 96 : index
      %get3A_838 = tpu.vector_load %get3A_836[%get3A_837] {strides = array<i32>} : memref<128xf32, #tpu.memory_space<vmem>>, vector<16xf32>,
      %get3A_839 = vector.shape_cast %get3A_838 : vector<16xf32> to vector<16xf32>
      %add3A_840 = arith.addf %add3A_832, %get3A_839 : vector<16xf32>
      %get3A_841 = arith.constant 4 : i32
      %get3A_842 = arith.constant 0 : i32
      %get3A_843 = tpu.memref_slice %arg6[%get3A_841, %get3A_842] : memref<16x128xf32, #tpu.memory_space<vmem>> -> memref<1x128xf32, #tpu.memory_space<vmem>>
      %get3A_844 = tpu.memref_squeeze %get3A_843 : memref<1x128xf32, #tpu.memory_space<vmem>> -> memref<128xf32, #tpu.memory_space<vmem>>
      %get3A_845 = arith.constant 96 : index
      %get3A_846 = tpu.vector_load %get3A_844[%get3A_845] {strides = array<i32>} : memref<128xf32, #tpu.memory_space<vmem>>, vector<16xf32>,
      %get3A_847 = vector.shape_cast %get3A_846 : vector<16xf32> to vector<16xf32>
      %add3A_848 = arith.addf %add3A_840, %get3A_847 : vector<16xf32>
      %get3A_849 = arith.constant 5 : i32
      %get3A_850 = arith.constant 0 : i32
      %get3A_851 = tpu.memref_slice %arg6[%get3A_849, %get3A_850] : memref<16x128xf32, #tpu.memory_space<vmem>> -> memref<1x128xf32, #tpu.memory_space<vmem>>
      %get3A_852 = tpu.memref_squeeze %get3A_851 : memref<1x128xf32, #tpu.memory_space<vmem>> -> memref<128xf32, #tpu.memory_space<vmem>>
      %get3A_853 = arith.constant 96 : index
      %get3A_854 = tpu.vector_load %get3A_852[%get3A_853] {strides = array<i32>} : memref<128xf32, #tpu.memory_space<vmem>>, vector<16xf32>,
      %get3A_855 = vector.shape_cast %get3A_854 : vector<16xf32> to vector<16xf32>
      %add3A_856 = arith.addf %add3A_848, %get3A_855 : vector<16xf32>
      %get3A_857 = arith.constant 6 : i32
      %get3A_858 = arith.constant 0 : i32
      %get3A_859 = tpu.memref_slice %arg6[%get3A_857, %get3A_858] : memref<16x128xf32, #tpu.memory_space<vmem>> -> memref<1x128xf32, #tpu.memory_space<vmem>>
      %get3A_860 = tpu.memref_squeeze %get3A_859 : memref<1x128xf32, #tpu.memory_space<vmem>> -> memref<128xf32, #tpu.memory_space<vmem>>
      %get3A_861 = arith.constant 96 : index
      %get3A_862 = tpu.vector_load %get3A_860[%get3A_861] {strides = array<i32>} : memref<128xf32, #tpu.memory_space<vmem>>, vector<16xf32>,
      %get3A_863 = vector.shape_cast %get3A_862 : vector<16xf32> to vector<16xf32>
      %add3A_864 = arith.addf %add3A_856, %get3A_863 : vector<16xf32>
      %get3A_865 = arith.constant 7 : i32
      %get3A_866 = arith.constant 0 : i32
      %get3A_867 = tpu.memref_slice %arg6[%get3A_865, %get3A_866] : memref<16x128xf32, #tpu.memory_space<vmem>> -> memref<1x128xf32, #tpu.memory_space<vmem>>
      %get3A_868 = tpu.memref_squeeze %get3A_867 : memref<1x128xf32, #tpu.memory_space<vmem>> -> memref<128xf32, #tpu.memory_space<vmem>>
      %get3A_869 = arith.constant 96 : index
      %get3A_870 = tpu.vector_load %get3A_868[%get3A_869] {strides = array<i32>} : memref<128xf32, #tpu.memory_space<vmem>>, vector<16xf32>,
      %get3A_871 = vector.shape_cast %get3A_870 : vector<16xf32> to vector<16xf32>
      %add3A_872 = arith.addf %add3A_864, %get3A_871 : vector<16xf32>
      %get3A_873 = arith.constant 8 : i32
      %get3A_874 = arith.constant 0 : i32
      %get3A_875 = tpu.memref_slice %arg6[%get3A_873, %get3A_874] : memref<16x128xf32, #tpu.memory_space<vmem>> -> memref<1x128xf32, #tpu.memory_space<vmem>>
      %get3A_876 = tpu.memref_squeeze %get3A_875 : memref<1x128xf32, #tpu.memory_space<vmem>> -> memref<128xf32, #tpu.memory_space<vmem>>
      %get3A_877 = arith.constant 96 : index
      %get3A_878 = tpu.vector_load %get3A_876[%get3A_877] {strides = array<i32>} : memref<128xf32, #tpu.memory_space<vmem>>, vector<16xf32>,
      %get3A_879 = vector.shape_cast %get3A_878 : vector<16xf32> to vector<16xf32>
      %add3A_880 = arith.addf %add3A_872, %get3A_879 : vector<16xf32>
      %get3A_881 = arith.constant 9 : i32
      %get3A_882 = arith.constant 0 : i32
      %get3A_883 = tpu.memref_slice %arg6[%get3A_881, %get3A_882] : memref<16x128xf32, #tpu.memory_space<vmem>> -> memref<1x128xf32, #tpu.memory_space<vmem>>
      %get3A_884 = tpu.memref_squeeze %get3A_883 : memref<1x128xf32, #tpu.memory_space<vmem>> -> memref<128xf32, #tpu.memory_space<vmem>>
      %get3A_885 = arith.constant 96 : index
      %get3A_886 = tpu.vector_load %get3A_884[%get3A_885] {strides = array<i32>} : memref<128xf32, #tpu.memory_space<vmem>>, vector<16xf32>,
      %get3A_887 = vector.shape_cast %get3A_886 : vector<16xf32> to vector<16xf32>
      %add3A_888 = arith.addf %add3A_880, %get3A_887 : vector<16xf32>
      %get3A_889 = arith.constant 10 : i32
      %get3A_890 = arith.constant 0 : i32
      %get3A_891 = tpu.memref_slice %arg6[%get3A_889, %get3A_890] : memref<16x128xf32, #tpu.memory_space<vmem>> -> memref<1x128xf32, #tpu.memory_space<vmem>>
      %get3A_892 = tpu.memref_squeeze %get3A_891 : memref<1x128xf32, #tpu.memory_space<vmem>> -> memref<128xf32, #tpu.memory_space<vmem>>
      %get3A_893 = arith.constant 96 : index
      %get3A_894 = tpu.vector_load %get3A_892[%get3A_893] {strides = array<i32>} : memref<128xf32, #tpu.memory_space<vmem>>, vector<16xf32>,
      %get3A_895 = vector.shape_cast %get3A_894 : vector<16xf32> to vector<16xf32>
      %add3A_896 = arith.addf %add3A_888, %get3A_895 : vector<16xf32>
      %get3A_897 = arith.constant 11 : i32
      %get3A_898 = arith.constant 0 : i32
      %get3A_899 = tpu.memref_slice %arg6[%get3A_897, %get3A_898] : memref<16x128xf32, #tpu.memory_space<vmem>> -> memref<1x128xf32, #tpu.memory_space<vmem>>
      %get3A_900 = tpu.memref_squeeze %get3A_899 : memref<1x128xf32, #tpu.memory_space<vmem>> -> memref<128xf32, #tpu.memory_space<vmem>>
      %get3A_901 = arith.constant 96 : index
      %get3A_902 = tpu.vector_load %get3A_900[%get3A_901] {strides = array<i32>} : memref<128xf32, #tpu.memory_space<vmem>>, vector<16xf32>,
      %get3A_903 = vector.shape_cast %get3A_902 : vector<16xf32> to vector<16xf32>
      %add3A_904 = arith.addf %add3A_896, %get3A_903 : vector<16xf32>
      %get3A_905 = arith.constant 12 : i32
      %get3A_906 = arith.constant 0 : i32
      %get3A_907 = tpu.memref_slice %arg6[%get3A_905, %get3A_906] : memref<16x128xf32, #tpu.memory_space<vmem>> -> memref<1x128xf32, #tpu.memory_space<vmem>>
      %get3A_908 = tpu.memref_squeeze %get3A_907 : memref<1x128xf32, #tpu.memory_space<vmem>> -> memref<128xf32, #tpu.memory_space<vmem>>
      %get3A_909 = arith.constant 96 : index
      %get3A_910 = tpu.vector_load %get3A_908[%get3A_909] {strides = array<i32>} : memref<128xf32, #tpu.memory_space<vmem>>, vector<16xf32>,
      %get3A_911 = vector.shape_cast %get3A_910 : vector<16xf32> to vector<16xf32>
      %add3A_912 = arith.addf %add3A_904, %get3A_911 : vector<16xf32>
      %get3A_913 = arith.constant 13 : i32
      %get3A_914 = arith.constant 0 : i32
      %get3A_915 = tpu.memref_slice %arg6[%get3A_913, %get3A_914] : memref<16x128xf32, #tpu.memory_space<vmem>> -> memref<1x128xf32, #tpu.memory_space<vmem>>
      %get3A_916 = tpu.memref_squeeze %get3A_915 : memref<1x128xf32, #tpu.memory_space<vmem>> -> memref<128xf32, #tpu.memory_space<vmem>>
      %get3A_917 = arith.constant 96 : index
      %get3A_918 = tpu.vector_load %get3A_916[%get3A_917] {strides = array<i32>} : memref<128xf32, #tpu.memory_space<vmem>>, vector<16xf32>,
      %get3A_919 = vector.shape_cast %get3A_918 : vector<16xf32> to vector<16xf32>
      %add3A_920 = arith.addf %add3A_912, %get3A_919 : vector<16xf32>
      %get3A_921 = arith.constant 14 : i32
      %get3A_922 = arith.constant 0 : i32
      %get3A_923 = tpu.memref_slice %arg6[%get3A_921, %get3A_922] : memref<16x128xf32, #tpu.memory_space<vmem>> -> memref<1x128xf32, #tpu.memory_space<vmem>>
      %get3A_924 = tpu.memref_squeeze %get3A_923 : memref<1x128xf32, #tpu.memory_space<vmem>> -> memref<128xf32, #tpu.memory_space<vmem>>
      %get3A_925 = arith.constant 96 : index
      %get3A_926 = tpu.vector_load %get3A_924[%get3A_925] {strides = array<i32>} : memref<128xf32, #tpu.memory_space<vmem>>, vector<16xf32>,
      %get3A_927 = vector.shape_cast %get3A_926 : vector<16xf32> to vector<16xf32>
      %add3A_928 = arith.addf %add3A_920, %get3A_927 : vector<16xf32>
      %get3A_929 = arith.constant 15 : i32
      %get3A_930 = arith.constant 0 : i32
      %get3A_931 = tpu.memref_slice %arg6[%get3A_929, %get3A_930] : memref<16x128xf32, #tpu.memory_space<vmem>> -> memref<1x128xf32, #tpu.memory_space<vmem>>
      %get3A_932 = tpu.memref_squeeze %get3A_931 : memref<1x128xf32, #tpu.memory_space<vmem>> -> memref<128xf32, #tpu.memory_space<vmem>>
      %get3A_933 = arith.constant 96 : index
      %get3A_934 = tpu.vector_load %get3A_932[%get3A_933] {strides = array<i32>} : memref<128xf32, #tpu.memory_space<vmem>>, vector<16xf32>,
      %get3A_935 = vector.shape_cast %get3A_934 : vector<16xf32> to vector<16xf32>
      %add3A_936 = arith.addf %add3A_928, %get3A_935 : vector<16xf32>
      %swap3A_937 = arith.constant 0 : i32
      %swap3A_938 = arith.index_cast %swap3A_937 : i32 to index
      %swap3A_939 = arith.constant 96 : index
      %swap3A_940 = tpu.vector_load %arg7[%swap3A_938, %swap3A_939] {strides = array<i32>} : memref<1x128xf32, #tpu.memory_space<vmem>>, vector<1x16xf32>,
      %swap3A_941 = vector.shape_cast %swap3A_940 : vector<1x16xf32> to vector<16xf32>
      %swap3A_942 = vector.shape_cast %add3A_936 : vector<16xf32> to vector<1x16xf32>
      tpu.vector_store %arg7[%swap3A_938, %swap3A_939], %swap3A_942 {strides = array<i32>} : memref<1x128xf32, #tpu.memory_space<vmem>>, vector<1x16xf32>,
      %get3A_943 = arith.constant 0 : i32
      %get3A_944 = arith.constant 0 : i32
      %get3A_945 = tpu.memref_slice %arg6[%get3A_943, %get3A_944] : memref<16x128xf32, #tpu.memory_space<vmem>> -> memref<1x128xf32, #tpu.memory_space<vmem>>
      %get3A_946 = tpu.memref_squeeze %get3A_945 : memref<1x128xf32, #tpu.memory_space<vmem>> -> memref<128xf32, #tpu.memory_space<vmem>>
      %get3A_947 = arith.constant 112 : index
      %get3A_948 = tpu.vector_load %get3A_946[%get3A_947] {strides = array<i32>} : memref<128xf32, #tpu.memory_space<vmem>>, vector<16xf32>,
      %get3A_949 = vector.shape_cast %get3A_948 : vector<16xf32> to vector<16xf32>
      %get3A_950 = arith.constant 1 : i32
      %get3A_951 = arith.constant 0 : i32
      %get3A_952 = tpu.memref_slice %arg6[%get3A_950, %get3A_951] : memref<16x128xf32, #tpu.memory_space<vmem>> -> memref<1x128xf32, #tpu.memory_space<vmem>>
      %get3A_953 = tpu.memref_squeeze %get3A_952 : memref<1x128xf32, #tpu.memory_space<vmem>> -> memref<128xf32, #tpu.memory_space<vmem>>
      %get3A_954 = arith.constant 112 : index
      %get3A_955 = tpu.vector_load %get3A_953[%get3A_954] {strides = array<i32>} : memref<128xf32, #tpu.memory_space<vmem>>, vector<16xf32>,
      %get3A_956 = vector.shape_cast %get3A_955 : vector<16xf32> to vector<16xf32>
      %add3A_957 = arith.addf %get3A_949, %get3A_956 : vector<16xf32>
      %get3A_958 = arith.constant 2 : i32
      %get3A_959 = arith.constant 0 : i32
      %get3A_960 = tpu.memref_slice %arg6[%get3A_958, %get3A_959] : memref<16x128xf32, #tpu.memory_space<vmem>> -> memref<1x128xf32, #tpu.memory_space<vmem>>
      %get3A_961 = tpu.memref_squeeze %get3A_960 : memref<1x128xf32, #tpu.memory_space<vmem>> -> memref<128xf32, #tpu.memory_space<vmem>>
      %get3A_962 = arith.constant 112 : index
      %get3A_963 = tpu.vector_load %get3A_961[%get3A_962] {strides = array<i32>} : memref<128xf32, #tpu.memory_space<vmem>>, vector<16xf32>,
      %get3A_964 = vector.shape_cast %get3A_963 : vector<16xf32> to vector<16xf32>
      %add3A_965 = arith.addf %add3A_957, %get3A_964 : vector<16xf32>
      %get3A_966 = arith.constant 3 : i32
      %get3A_967 = arith.constant 0 : i32
      %get3A_968 = tpu.memref_slice %arg6[%get3A_966, %get3A_967] : memref<16x128xf32, #tpu.memory_space<vmem>> -> memref<1x128xf32, #tpu.memory_space<vmem>>
      %get3A_969 = tpu.memref_squeeze %get3A_968 : memref<1x128xf32, #tpu.memory_space<vmem>> -> memref<128xf32, #tpu.memory_space<vmem>>
      %get3A_970 = arith.constant 112 : index
      %get3A_971 = tpu.vector_load %get3A_969[%get3A_970] {strides = array<i32>} : memref<128xf32, #tpu.memory_space<vmem>>, vector<16xf32>,
      %get3A_972 = vector.shape_cast %get3A_971 : vector<16xf32> to vector<16xf32>
      %add3A_973 = arith.addf %add3A_965, %get3A_972 : vector<16xf32>
      %get3A_974 = arith.constant 4 : i32
      %get3A_975 = arith.constant 0 : i32
      %get3A_976 = tpu.memref_slice %arg6[%get3A_974, %get3A_975] : memref<16x128xf32, #tpu.memory_space<vmem>> -> memref<1x128xf32, #tpu.memory_space<vmem>>
      %get3A_977 = tpu.memref_squeeze %get3A_976 : memref<1x128xf32, #tpu.memory_space<vmem>> -> memref<128xf32, #tpu.memory_space<vmem>>
      %get3A_978 = arith.constant 112 : index
      %get3A_979 = tpu.vector_load %get3A_977[%get3A_978] {strides = array<i32>} : memref<128xf32, #tpu.memory_space<vmem>>, vector<16xf32>,
      %get3A_980 = vector.shape_cast %get3A_979 : vector<16xf32> to vector<16xf32>
      %add3A_981 = arith.addf %add3A_973, %get3A_980 : vector<16xf32>
      %get3A_982 = arith.constant 5 : i32
      %get3A_983 = arith.constant 0 : i32
      %get3A_984 = tpu.memref_slice %arg6[%get3A_982, %get3A_983] : memref<16x128xf32, #tpu.memory_space<vmem>> -> memref<1x128xf32, #tpu.memory_space<vmem>>
      %get3A_985 = tpu.memref_squeeze %get3A_984 : memref<1x128xf32, #tpu.memory_space<vmem>> -> memref<128xf32, #tpu.memory_space<vmem>>
      %get3A_986 = arith.constant 112 : index
      %get3A_987 = tpu.vector_load %get3A_985[%get3A_986] {strides = array<i32>} : memref<128xf32, #tpu.memory_space<vmem>>, vector<16xf32>,
      %get3A_988 = vector.shape_cast %get3A_987 : vector<16xf32> to vector<16xf32>
      %add3A_989 = arith.addf %add3A_981, %get3A_988 : vector<16xf32>
      %get3A_990 = arith.constant 6 : i32
      %get3A_991 = arith.constant 0 : i32
      %get3A_992 = tpu.memref_slice %arg6[%get3A_990, %get3A_991] : memref<16x128xf32, #tpu.memory_space<vmem>> -> memref<1x128xf32, #tpu.memory_space<vmem>>
      %get3A_993 = tpu.memref_squeeze %get3A_992 : memref<1x128xf32, #tpu.memory_space<vmem>> -> memref<128xf32, #tpu.memory_space<vmem>>
      %get3A_994 = arith.constant 112 : index
      %get3A_995 = tpu.vector_load %get3A_993[%get3A_994] {strides = array<i32>} : memref<128xf32, #tpu.memory_space<vmem>>, vector<16xf32>,
      %get3A_996 = vector.shape_cast %get3A_995 : vector<16xf32> to vector<16xf32>
      %add3A_997 = arith.addf %add3A_989, %get3A_996 : vector<16xf32>
      %get3A_998 = arith.constant 7 : i32
      %get3A_999 = arith.constant 0 : i32
      %get3A_1000 = tpu.memref_slice %arg6[%get3A_998, %get3A_999] : memref<16x128xf32, #tpu.memory_space<vmem>> -> memref<1x128xf32, #tpu.memory_space<vmem>>
      %get3A_1001 = tpu.memref_squeeze %get3A_1000 : memref<1x128xf32, #tpu.memory_space<vmem>> -> memref<128xf32, #tpu.memory_space<vmem>>
      %get3A_1002 = arith.constant 112 : index
      %get3A_1003 = tpu.vector_load %get3A_1001[%get3A_1002] {strides = array<i32>} : memref<128xf32, #tpu.memory_space<vmem>>, vector<16xf32>,
      %get3A_1004 = vector.shape_cast %get3A_1003 : vector<16xf32> to vector<16xf32>
      %add3A_1005 = arith.addf %add3A_997, %get3A_1004 : vector<16xf32>
      %get3A_1006 = arith.constant 8 : i32
      %get3A_1007 = arith.constant 0 : i32
      %get3A_1008 = tpu.memref_slice %arg6[%get3A_1006, %get3A_1007] : memref<16x128xf32, #tpu.memory_space<vmem>> -> memref<1x128xf32, #tpu.memory_space<vmem>>
      %get3A_1009 = tpu.memref_squeeze %get3A_1008 : memref<1x128xf32, #tpu.memory_space<vmem>> -> memref<128xf32, #tpu.memory_space<vmem>>
      %get3A_1010 = arith.constant 112 : index
      %get3A_1011 = tpu.vector_load %get3A_1009[%get3A_1010] {strides = array<i32>} : memref<128xf32, #tpu.memory_space<vmem>>, vector<16xf32>,
      %get3A_1012 = vector.shape_cast %get3A_1011 : vector<16xf32> to vector<16xf32>
      %add3A_1013 = arith.addf %add3A_1005, %get3A_1012 : vector<16xf32>
      %get3A_1014 = arith.constant 9 : i32
      %get3A_1015 = arith.constant 0 : i32
      %get3A_1016 = tpu.memref_slice %arg6[%get3A_1014, %get3A_1015] : memref<16x128xf32, #tpu.memory_space<vmem>> -> memref<1x128xf32, #tpu.memory_space<vmem>>
      %get3A_1017 = tpu.memref_squeeze %get3A_1016 : memref<1x128xf32, #tpu.memory_space<vmem>> -> memref<128xf32, #tpu.memory_space<vmem>>
      %get3A_1018 = arith.constant 112 : index
      %get3A_1019 = tpu.vector_load %get3A_1017[%get3A_1018] {strides = array<i32>} : memref<128xf32, #tpu.memory_space<vmem>>, vector<16xf32>,
      %get3A_1020 = vector.shape_cast %get3A_1019 : vector<16xf32> to vector<16xf32>
      %add3A_1021 = arith.addf %add3A_1013, %get3A_1020 : vector<16xf32>
      %get3A_1022 = arith.constant 10 : i32
      %get3A_1023 = arith.constant 0 : i32
      %get3A_1024 = tpu.memref_slice %arg6[%get3A_1022, %get3A_1023] : memref<16x128xf32, #tpu.memory_space<vmem>> -> memref<1x128xf32, #tpu.memory_space<vmem>>
      %get3A_1025 = tpu.memref_squeeze %get3A_1024 : memref<1x128xf32, #tpu.memory_space<vmem>> -> memref<128xf32, #tpu.memory_space<vmem>>
      %get3A_1026 = arith.constant 112 : index
      %get3A_1027 = tpu.vector_load %get3A_1025[%get3A_1026] {strides = array<i32>} : memref<128xf32, #tpu.memory_space<vmem>>, vector<16xf32>,
      %get3A_1028 = vector.shape_cast %get3A_1027 : vector<16xf32> to vector<16xf32>
      %add3A_1029 = arith.addf %add3A_1021, %get3A_1028 : vector<16xf32>
      %get3A_1030 = arith.constant 11 : i32
      %get3A_1031 = arith.constant 0 : i32
      %get3A_1032 = tpu.memref_slice %arg6[%get3A_1030, %get3A_1031] : memref<16x128xf32, #tpu.memory_space<vmem>> -> memref<1x128xf32, #tpu.memory_space<vmem>>
      %get3A_1033 = tpu.memref_squeeze %get3A_1032 : memref<1x128xf32, #tpu.memory_space<vmem>> -> memref<128xf32, #tpu.memory_space<vmem>>
      %get3A_1034 = arith.constant 112 : index
      %get3A_1035 = tpu.vector_load %get3A_1033[%get3A_1034] {strides = array<i32>} : memref<128xf32, #tpu.memory_space<vmem>>, vector<16xf32>,
      %get3A_1036 = vector.shape_cast %get3A_1035 : vector<16xf32> to vector<16xf32>
      %add3A_1037 = arith.addf %add3A_1029, %get3A_1036 : vector<16xf32>
      %get3A_1038 = arith.constant 12 : i32
      %get3A_1039 = arith.constant 0 : i32
      %get3A_1040 = tpu.memref_slice %arg6[%get3A_1038, %get3A_1039] : memref<16x128xf32, #tpu.memory_space<vmem>> -> memref<1x128xf32, #tpu.memory_space<vmem>>
      %get3A_1041 = tpu.memref_squeeze %get3A_1040 : memref<1x128xf32, #tpu.memory_space<vmem>> -> memref<128xf32, #tpu.memory_space<vmem>>
      %get3A_1042 = arith.constant 112 : index
      %get3A_1043 = tpu.vector_load %get3A_1041[%get3A_1042] {strides = array<i32>} : memref<128xf32, #tpu.memory_space<vmem>>, vector<16xf32>,
      %get3A_1044 = vector.shape_cast %get3A_1043 : vector<16xf32> to vector<16xf32>
      %add3A_1045 = arith.addf %add3A_1037, %get3A_1044 : vector<16xf32>
      %get3A_1046 = arith.constant 13 : i32
      %get3A_1047 = arith.constant 0 : i32
      %get3A_1048 = tpu.memref_slice %arg6[%get3A_1046, %get3A_1047] : memref<16x128xf32, #tpu.memory_space<vmem>> -> memref<1x128xf32, #tpu.memory_space<vmem>>
      %get3A_1049 = tpu.memref_squeeze %get3A_1048 : memref<1x128xf32, #tpu.memory_space<vmem>> -> memref<128xf32, #tpu.memory_space<vmem>>
      %get3A_1050 = arith.constant 112 : index
      %get3A_1051 = tpu.vector_load %get3A_1049[%get3A_1050] {strides = array<i32>} : memref<128xf32, #tpu.memory_space<vmem>>, vector<16xf32>,
      %get3A_1052 = vector.shape_cast %get3A_1051 : vector<16xf32> to vector<16xf32>
      %add3A_1053 = arith.addf %add3A_1045, %get3A_1052 : vector<16xf32>
      %get3A_1054 = arith.constant 14 : i32
      %get3A_1055 = arith.constant 0 : i32
      %get3A_1056 = tpu.memref_slice %arg6[%get3A_1054, %get3A_1055] : memref<16x128xf32, #tpu.memory_space<vmem>> -> memref<1x128xf32, #tpu.memory_space<vmem>>
      %get3A_1057 = tpu.memref_squeeze %get3A_1056 : memref<1x128xf32, #tpu.memory_space<vmem>> -> memref<128xf32, #tpu.memory_space<vmem>>
      %get3A_1058 = arith.constant 112 : index
      %get3A_1059 = tpu.vector_load %get3A_1057[%get3A_1058] {strides = array<i32>} : memref<128xf32, #tpu.memory_space<vmem>>, vector<16xf32>,
      %get3A_1060 = vector.shape_cast %get3A_1059 : vector<16xf32> to vector<16xf32>
      %add3A_1061 = arith.addf %add3A_1053, %get3A_1060 : vector<16xf32>
      %get3A_1062 = arith.constant 15 : i32
      %get3A_1063 = arith.constant 0 : i32
      %get3A_1064 = tpu.memref_slice %arg6[%get3A_1062, %get3A_1063] : memref<16x128xf32, #tpu.memory_space<vmem>> -> memref<1x128xf32, #tpu.memory_space<vmem>>
      %get3A_1065 = tpu.memref_squeeze %get3A_1064 : memref<1x128xf32, #tpu.memory_space<vmem>> -> memref<128xf32, #tpu.memory_space<vmem>>
      %get3A_1066 = arith.constant 112 : index
      %get3A_1067 = tpu.vector_load %get3A_1065[%get3A_1066] {strides = array<i32>} : memref<128xf32, #tpu.memory_space<vmem>>, vector<16xf32>,
      %get3A_1068 = vector.shape_cast %get3A_1067 : vector<16xf32> to vector<16xf32>
      %add3A_1069 = arith.addf %add3A_1061, %get3A_1068 : vector<16xf32>
      %swap3A_1070 = arith.constant 0 : i32
      %swap3A_1071 = arith.index_cast %swap3A_1070 : i32 to index
      %swap3A_1072 = arith.constant 112 : index
      %swap3A_1073 = tpu.vector_load %arg7[%swap3A_1071, %swap3A_1072] {strides = array<i32>} : memref<1x128xf32, #tpu.memory_space<vmem>>, vector<1x16xf32>,
      %swap3A_1074 = vector.shape_cast %swap3A_1073 : vector<1x16xf32> to vector<16xf32>
      %swap3A_1075 = vector.shape_cast %add3A_1069 : vector<16xf32> to vector<1x16xf32>
      tpu.vector_store %arg7[%swap3A_1071, %swap3A_1072], %swap3A_1075 {strides = array<i32>} : memref<1x128xf32, #tpu.memory_space<vmem>>, vector<1x16xf32>,
    } else {
    }
    %eq3A = arith.constant 12 : i32
    %eq3A_2 = arith.cmpi eq, %arg1, %eq3A : i32
    %convert_element_type3A_3 = arith.extui %eq3A_2 : i1 to i32
    %cond3A_4 = arith.constant 0 : i32
    %cond3A_5 = arith.cmpi ne, %convert_element_type3A_3, %cond3A_4 : i32
    scf.if %cond3A_5 {
      "tpu.region"() ({
        %run_scoped3A = tpu.sem_alloc : memref<!tpu.dma_semaphore, #tpu.memory_space<semaphore_mem>>
        %dma_start3A_573 = arith.constant 0 : i32
        %dma_start3A_574 = tpu.memref_slice %arg5[%dma_start3A_573] : memref<16xi32, #tpu.memory_space<vmem>> -> memref<8xi32, #tpu.memory_space<vmem>>
        %dma_start3A_575 = arith.constant 192 : i32
        %dma_start3A_576 = tpu.memref_slice %arg2[%dma_start3A_575] : memref<200xi32, #tpu.memory_space<hbm>> -> memref<8xi32, #tpu.memory_space<hbm>>
        %dma_start3A_577 = arith.constant 0 : i32
        %dma_start3A_578 = tpu.memref_slice %arg5[%dma_start3A_577] : memref<16xi32, #tpu.memory_space<vmem>> -> memref<8xi32, #tpu.memory_space<vmem>>
        %dma_start3A_579 = arith.constant 192 : i32
        %dma_start3A_580 = tpu.memref_slice %arg2[%dma_start3A_579] : memref<200xi32, #tpu.memory_space<hbm>> -> memref<8xi32, #tpu.memory_space<hbm>>
        tpu.enqueue_dma source(%dma_start3A_580 : memref<8xi32, #tpu.memory_space<hbm>>) target(%dma_start3A_578 : memref<8xi32, #tpu.memory_space<vmem>>) target_semaphore(%run_scoped3A : memref<!tpu.dma_semaphore, #tpu.memory_space<semaphore_mem>>)
        %dma_wait3A_581 = arith.constant 0 : i32
        %dma_wait3A_582 = tpu.memref_slice %arg5[%dma_wait3A_581] : memref<16xi32, #tpu.memory_space<vmem>> -> memref<8xi32, #tpu.memory_space<vmem>>
        %dma_wait3A_583 = arith.constant 192 : i32
        %dma_wait3A_584 = tpu.memref_slice %arg2[%dma_wait3A_583] : memref<200xi32, #tpu.memory_space<hbm>> -> memref<8xi32, #tpu.memory_space<hbm>>
        %dma_wait3A_585 = arith.constant 0 : i32
        %dma_wait3A_586 = tpu.memref_slice %arg5[%dma_wait3A_585] : memref<16xi32, #tpu.memory_space<vmem>> -> memref<8xi32, #tpu.memory_space<vmem>>
        %dma_wait3A_587 = arith.constant 192 : i32
        %dma_wait3A_588 = tpu.memref_slice %arg2[%dma_wait3A_587] : memref<200xi32, #tpu.memory_space<hbm>> -> memref<8xi32, #tpu.memory_space<hbm>>
        tpu.wait_dma2 semaphore(%run_scoped3A : memref<!tpu.dma_semaphore, #tpu.memory_space<semaphore_mem>>) src(%dma_wait3A_588 : memref<8xi32, #tpu.memory_space<hbm>>) dst(%dma_wait3A_586 : memref<8xi32, #tpu.memory_space<vmem>>)
        tpu.yield
      }) : () -> ()
      %dma_start3A = arith.constant 0 : i32
      %dma_start3A_10 = arith.constant 0 : i32
      %dma_start3A_11 = tpu.memref_slice %arg6[%dma_start3A, %dma_start3A_10] : memref<16x128xf32, #tpu.memory_space<vmem>> -> memref<8x128xf32, #tpu.memory_space<vmem>>
      %dma_start3A_12 = arith.constant 0 : i32
      %dma_start3A_13 = tpu.memref_slice %arg5[%dma_start3A_12] : memref<16xi32, #tpu.memory_space<vmem>> -> memref<8xi32, #tpu.memory_space<vmem>>
      %dma_start3A_14 = arith.constant 0 : i32
      %dma_start3A_15 = arith.constant 0 : i32
      %dma_start3A_16 = tpu.memref_slice %arg3[%dma_start3A_14, %dma_start3A_15] : memref<100000x128xf32, #tpu.memory_space<hbm>> -> memref<100000x128xf32, #tpu.memory_space<hbm>>
      tpu.enqueue_indirect_dma source(%dma_start3A_16 : memref<100000x128xf32, #tpu.memory_space<hbm>>) target(%dma_start3A_11 : memref<8x128xf32, #tpu.memory_space<vmem>>) offsets(%dma_start3A_13 : memref<8xi32, #tpu.memory_space<vmem>>) semaphore(%arg8 : memref<!tpu.dma_semaphore, #tpu.memory_space<semaphore_mem>>)
      %dma_wait3A = arith.constant 0 : i32
      %dma_wait3A_17 = arith.constant 0 : i32
      %dma_wait3A_18 = tpu.memref_slice %arg6[%dma_wait3A, %dma_wait3A_17] : memref<16x128xf32, #tpu.memory_space<vmem>> -> memref<8x128xf32, #tpu.memory_space<vmem>>
      %dma_wait3A_19 = arith.constant 0 : i32
      %dma_wait3A_20 = tpu.memref_slice %arg5[%dma_wait3A_19] : memref<16xi32, #tpu.memory_space<vmem>> -> memref<8xi32, #tpu.memory_space<vmem>>
      %dma_wait3A_21 = arith.constant 0 : i32
      %dma_wait3A_22 = arith.constant 0 : i32
      %dma_wait3A_23 = tpu.memref_slice %arg3[%dma_wait3A_21, %dma_wait3A_22] : memref<100000x128xf32, #tpu.memory_space<hbm>> -> memref<100000x128xf32, #tpu.memory_space<hbm>>
      tpu.wait_indirect_dma semaphore(%arg8 : memref<!tpu.dma_semaphore, #tpu.memory_space<semaphore_mem>>) src(%dma_wait3A_23 : memref<100000x128xf32, #tpu.memory_space<hbm>>) dst(%dma_wait3A_18 : memref<8x128xf32, #tpu.memory_space<vmem>>)
      %get3A = arith.constant 0 : i32
      %get3A_24 = arith.constant 0 : i32
      %get3A_25 = tpu.memref_slice %arg6[%get3A, %get3A_24] : memref<16x128xf32, #tpu.memory_space<vmem>> -> memref<1x128xf32, #tpu.memory_space<vmem>>
      %get3A_26 = tpu.memref_squeeze %get3A_25 : memref<1x128xf32, #tpu.memory_space<vmem>> -> memref<128xf32, #tpu.memory_space<vmem>>
      %get3A_27 = arith.constant 0 : index
      %get3A_28 = tpu.vector_load %get3A_26[%get3A_27] {strides = array<i32>} : memref<128xf32, #tpu.memory_space<vmem>>, vector<16xf32>,
      %get3A_29 = vector.shape_cast %get3A_28 : vector<16xf32> to vector<16xf32>
      %get3A_30 = arith.constant 1 : i32
      %get3A_31 = arith.constant 0 : i32
      %get3A_32 = tpu.memref_slice %arg6[%get3A_30, %get3A_31] : memref<16x128xf32, #tpu.memory_space<vmem>> -> memref<1x128xf32, #tpu.memory_space<vmem>>
      %get3A_33 = tpu.memref_squeeze %get3A_32 : memref<1x128xf32, #tpu.memory_space<vmem>> -> memref<128xf32, #tpu.memory_space<vmem>>
      %get3A_34 = arith.constant 0 : index
      %get3A_35 = tpu.vector_load %get3A_33[%get3A_34] {strides = array<i32>} : memref<128xf32, #tpu.memory_space<vmem>>, vector<16xf32>,
      %get3A_36 = vector.shape_cast %get3A_35 : vector<16xf32> to vector<16xf32>
      %add3A = arith.addf %get3A_29, %get3A_36 : vector<16xf32>
      %get3A_37 = arith.constant 2 : i32
      %get3A_38 = arith.constant 0 : i32
      %get3A_39 = tpu.memref_slice %arg6[%get3A_37, %get3A_38] : memref<16x128xf32, #tpu.memory_space<vmem>> -> memref<1x128xf32, #tpu.memory_space<vmem>>
      %get3A_40 = tpu.memref_squeeze %get3A_39 : memref<1x128xf32, #tpu.memory_space<vmem>> -> memref<128xf32, #tpu.memory_space<vmem>>
      %get3A_41 = arith.constant 0 : index
      %get3A_42 = tpu.vector_load %get3A_40[%get3A_41] {strides = array<i32>} : memref<128xf32, #tpu.memory_space<vmem>>, vector<16xf32>,
      %get3A_43 = vector.shape_cast %get3A_42 : vector<16xf32> to vector<16xf32>
      %add3A_44 = arith.addf %add3A, %get3A_43 : vector<16xf32>
      %get3A_45 = arith.constant 3 : i32
      %get3A_46 = arith.constant 0 : i32
      %get3A_47 = tpu.memref_slice %arg6[%get3A_45, %get3A_46] : memref<16x128xf32, #tpu.memory_space<vmem>> -> memref<1x128xf32, #tpu.memory_space<vmem>>
      %get3A_48 = tpu.memref_squeeze %get3A_47 : memref<1x128xf32, #tpu.memory_space<vmem>> -> memref<128xf32, #tpu.memory_space<vmem>>
      %get3A_49 = arith.constant 0 : index
      %get3A_50 = tpu.vector_load %get3A_48[%get3A_49] {strides = array<i32>} : memref<128xf32, #tpu.memory_space<vmem>>, vector<16xf32>,
      %get3A_51 = vector.shape_cast %get3A_50 : vector<16xf32> to vector<16xf32>
      %add3A_52 = arith.addf %add3A_44, %get3A_51 : vector<16xf32>
      %get3A_53 = arith.constant 4 : i32
      %get3A_54 = arith.constant 0 : i32
      %get3A_55 = tpu.memref_slice %arg6[%get3A_53, %get3A_54] : memref<16x128xf32, #tpu.memory_space<vmem>> -> memref<1x128xf32, #tpu.memory_space<vmem>>
      %get3A_56 = tpu.memref_squeeze %get3A_55 : memref<1x128xf32, #tpu.memory_space<vmem>> -> memref<128xf32, #tpu.memory_space<vmem>>
      %get3A_57 = arith.constant 0 : index
      %get3A_58 = tpu.vector_load %get3A_56[%get3A_57] {strides = array<i32>} : memref<128xf32, #tpu.memory_space<vmem>>, vector<16xf32>,
      %get3A_59 = vector.shape_cast %get3A_58 : vector<16xf32> to vector<16xf32>
      %add3A_60 = arith.addf %add3A_52, %get3A_59 : vector<16xf32>
      %get3A_61 = arith.constant 5 : i32
      %get3A_62 = arith.constant 0 : i32
      %get3A_63 = tpu.memref_slice %arg6[%get3A_61, %get3A_62] : memref<16x128xf32, #tpu.memory_space<vmem>> -> memref<1x128xf32, #tpu.memory_space<vmem>>
      %get3A_64 = tpu.memref_squeeze %get3A_63 : memref<1x128xf32, #tpu.memory_space<vmem>> -> memref<128xf32, #tpu.memory_space<vmem>>
      %get3A_65 = arith.constant 0 : index
      %get3A_66 = tpu.vector_load %get3A_64[%get3A_65] {strides = array<i32>} : memref<128xf32, #tpu.memory_space<vmem>>, vector<16xf32>,
      %get3A_67 = vector.shape_cast %get3A_66 : vector<16xf32> to vector<16xf32>
      %add3A_68 = arith.addf %add3A_60, %get3A_67 : vector<16xf32>
      %get3A_69 = arith.constant 6 : i32
      %get3A_70 = arith.constant 0 : i32
      %get3A_71 = tpu.memref_slice %arg6[%get3A_69, %get3A_70] : memref<16x128xf32, #tpu.memory_space<vmem>> -> memref<1x128xf32, #tpu.memory_space<vmem>>
      %get3A_72 = tpu.memref_squeeze %get3A_71 : memref<1x128xf32, #tpu.memory_space<vmem>> -> memref<128xf32, #tpu.memory_space<vmem>>
      %get3A_73 = arith.constant 0 : index
      %get3A_74 = tpu.vector_load %get3A_72[%get3A_73] {strides = array<i32>} : memref<128xf32, #tpu.memory_space<vmem>>, vector<16xf32>,
      %get3A_75 = vector.shape_cast %get3A_74 : vector<16xf32> to vector<16xf32>
      %add3A_76 = arith.addf %add3A_68, %get3A_75 : vector<16xf32>
      %get3A_77 = arith.constant 7 : i32
      %get3A_78 = arith.constant 0 : i32
      %get3A_79 = tpu.memref_slice %arg6[%get3A_77, %get3A_78] : memref<16x128xf32, #tpu.memory_space<vmem>> -> memref<1x128xf32, #tpu.memory_space<vmem>>
      %get3A_80 = tpu.memref_squeeze %get3A_79 : memref<1x128xf32, #tpu.memory_space<vmem>> -> memref<128xf32, #tpu.memory_space<vmem>>
      %get3A_81 = arith.constant 0 : index
      %get3A_82 = tpu.vector_load %get3A_80[%get3A_81] {strides = array<i32>} : memref<128xf32, #tpu.memory_space<vmem>>, vector<16xf32>,
      %get3A_83 = vector.shape_cast %get3A_82 : vector<16xf32> to vector<16xf32>
      %add3A_84 = arith.addf %add3A_76, %get3A_83 : vector<16xf32>
      %swap3A = arith.constant 0 : i32
      %swap3A_85 = arith.index_cast %swap3A : i32 to index
      %swap3A_86 = arith.constant 0 : index
      %swap3A_87 = tpu.vector_load %arg7[%swap3A_85, %swap3A_86] {strides = array<i32>} : memref<1x128xf32, #tpu.memory_space<vmem>>, vector<1x16xf32>,
      %swap3A_88 = vector.shape_cast %swap3A_87 : vector<1x16xf32> to vector<16xf32>
      %swap3A_89 = vector.shape_cast %add3A_84 : vector<16xf32> to vector<1x16xf32>
      tpu.vector_store %arg7[%swap3A_85, %swap3A_86], %swap3A_89 {strides = array<i32>} : memref<1x128xf32, #tpu.memory_space<vmem>>, vector<1x16xf32>,
      %get3A_90 = arith.constant 0 : i32
      %get3A_91 = arith.constant 0 : i32
      %get3A_92 = tpu.memref_slice %arg6[%get3A_90, %get3A_91] : memref<16x128xf32, #tpu.memory_space<vmem>> -> memref<1x128xf32, #tpu.memory_space<vmem>>
      %get3A_93 = tpu.memref_squeeze %get3A_92 : memref<1x128xf32, #tpu.memory_space<vmem>> -> memref<128xf32, #tpu.memory_space<vmem>>
      %get3A_94 = arith.constant 16 : index
      %get3A_95 = tpu.vector_load %get3A_93[%get3A_94] {strides = array<i32>} : memref<128xf32, #tpu.memory_space<vmem>>, vector<16xf32>,
      %get3A_96 = vector.shape_cast %get3A_95 : vector<16xf32> to vector<16xf32>
      %get3A_97 = arith.constant 1 : i32
      %get3A_98 = arith.constant 0 : i32
      %get3A_99 = tpu.memref_slice %arg6[%get3A_97, %get3A_98] : memref<16x128xf32, #tpu.memory_space<vmem>> -> memref<1x128xf32, #tpu.memory_space<vmem>>
      %get3A_100 = tpu.memref_squeeze %get3A_99 : memref<1x128xf32, #tpu.memory_space<vmem>> -> memref<128xf32, #tpu.memory_space<vmem>>
      %get3A_101 = arith.constant 16 : index
      %get3A_102 = tpu.vector_load %get3A_100[%get3A_101] {strides = array<i32>} : memref<128xf32, #tpu.memory_space<vmem>>, vector<16xf32>,
      %get3A_103 = vector.shape_cast %get3A_102 : vector<16xf32> to vector<16xf32>
      %add3A_104 = arith.addf %get3A_96, %get3A_103 : vector<16xf32>
      %get3A_105 = arith.constant 2 : i32
      %get3A_106 = arith.constant 0 : i32
      %get3A_107 = tpu.memref_slice %arg6[%get3A_105, %get3A_106] : memref<16x128xf32, #tpu.memory_space<vmem>> -> memref<1x128xf32, #tpu.memory_space<vmem>>
      %get3A_108 = tpu.memref_squeeze %get3A_107 : memref<1x128xf32, #tpu.memory_space<vmem>> -> memref<128xf32, #tpu.memory_space<vmem>>
      %get3A_109 = arith.constant 16 : index
      %get3A_110 = tpu.vector_load %get3A_108[%get3A_109] {strides = array<i32>} : memref<128xf32, #tpu.memory_space<vmem>>, vector<16xf32>,
      %get3A_111 = vector.shape_cast %get3A_110 : vector<16xf32> to vector<16xf32>
      %add3A_112 = arith.addf %add3A_104, %get3A_111 : vector<16xf32>
      %get3A_113 = arith.constant 3 : i32
      %get3A_114 = arith.constant 0 : i32
      %get3A_115 = tpu.memref_slice %arg6[%get3A_113, %get3A_114] : memref<16x128xf32, #tpu.memory_space<vmem>> -> memref<1x128xf32, #tpu.memory_space<vmem>>
      %get3A_116 = tpu.memref_squeeze %get3A_115 : memref<1x128xf32, #tpu.memory_space<vmem>> -> memref<128xf32, #tpu.memory_space<vmem>>
      %get3A_117 = arith.constant 16 : index
      %get3A_118 = tpu.vector_load %get3A_116[%get3A_117] {strides = array<i32>} : memref<128xf32, #tpu.memory_space<vmem>>, vector<16xf32>,
      %get3A_119 = vector.shape_cast %get3A_118 : vector<16xf32> to vector<16xf32>
      %add3A_120 = arith.addf %add3A_112, %get3A_119 : vector<16xf32>
      %get3A_121 = arith.constant 4 : i32
      %get3A_122 = arith.constant 0 : i32
      %get3A_123 = tpu.memref_slice %arg6[%get3A_121, %get3A_122] : memref<16x128xf32, #tpu.memory_space<vmem>> -> memref<1x128xf32, #tpu.memory_space<vmem>>
      %get3A_124 = tpu.memref_squeeze %get3A_123 : memref<1x128xf32, #tpu.memory_space<vmem>> -> memref<128xf32, #tpu.memory_space<vmem>>
      %get3A_125 = arith.constant 16 : index
      %get3A_126 = tpu.vector_load %get3A_124[%get3A_125] {strides = array<i32>} : memref<128xf32, #tpu.memory_space<vmem>>, vector<16xf32>,
      %get3A_127 = vector.shape_cast %get3A_126 : vector<16xf32> to vector<16xf32>
      %add3A_128 = arith.addf %add3A_120, %get3A_127 : vector<16xf32>
      %get3A_129 = arith.constant 5 : i32
      %get3A_130 = arith.constant 0 : i32
      %get3A_131 = tpu.memref_slice %arg6[%get3A_129, %get3A_130] : memref<16x128xf32, #tpu.memory_space<vmem>> -> memref<1x128xf32, #tpu.memory_space<vmem>>
      %get3A_132 = tpu.memref_squeeze %get3A_131 : memref<1x128xf32, #tpu.memory_space<vmem>> -> memref<128xf32, #tpu.memory_space<vmem>>
      %get3A_133 = arith.constant 16 : index
      %get3A_134 = tpu.vector_load %get3A_132[%get3A_133] {strides = array<i32>} : memref<128xf32, #tpu.memory_space<vmem>>, vector<16xf32>,
      %get3A_135 = vector.shape_cast %get3A_134 : vector<16xf32> to vector<16xf32>
      %add3A_136 = arith.addf %add3A_128, %get3A_135 : vector<16xf32>
      %get3A_137 = arith.constant 6 : i32
      %get3A_138 = arith.constant 0 : i32
      %get3A_139 = tpu.memref_slice %arg6[%get3A_137, %get3A_138] : memref<16x128xf32, #tpu.memory_space<vmem>> -> memref<1x128xf32, #tpu.memory_space<vmem>>
      %get3A_140 = tpu.memref_squeeze %get3A_139 : memref<1x128xf32, #tpu.memory_space<vmem>> -> memref<128xf32, #tpu.memory_space<vmem>>
      %get3A_141 = arith.constant 16 : index
      %get3A_142 = tpu.vector_load %get3A_140[%get3A_141] {strides = array<i32>} : memref<128xf32, #tpu.memory_space<vmem>>, vector<16xf32>,
      %get3A_143 = vector.shape_cast %get3A_142 : vector<16xf32> to vector<16xf32>
      %add3A_144 = arith.addf %add3A_136, %get3A_143 : vector<16xf32>
      %get3A_145 = arith.constant 7 : i32
      %get3A_146 = arith.constant 0 : i32
      %get3A_147 = tpu.memref_slice %arg6[%get3A_145, %get3A_146] : memref<16x128xf32, #tpu.memory_space<vmem>> -> memref<1x128xf32, #tpu.memory_space<vmem>>
      %get3A_148 = tpu.memref_squeeze %get3A_147 : memref<1x128xf32, #tpu.memory_space<vmem>> -> memref<128xf32, #tpu.memory_space<vmem>>
      %get3A_149 = arith.constant 16 : index
      %get3A_150 = tpu.vector_load %get3A_148[%get3A_149] {strides = array<i32>} : memref<128xf32, #tpu.memory_space<vmem>>, vector<16xf32>,
      %get3A_151 = vector.shape_cast %get3A_150 : vector<16xf32> to vector<16xf32>
      %add3A_152 = arith.addf %add3A_144, %get3A_151 : vector<16xf32>
      %swap3A_153 = arith.constant 0 : i32
      %swap3A_154 = arith.index_cast %swap3A_153 : i32 to index
      %swap3A_155 = arith.constant 16 : index
      %swap3A_156 = tpu.vector_load %arg7[%swap3A_154, %swap3A_155] {strides = array<i32>} : memref<1x128xf32, #tpu.memory_space<vmem>>, vector<1x16xf32>,
      %swap3A_157 = vector.shape_cast %swap3A_156 : vector<1x16xf32> to vector<16xf32>
      %swap3A_158 = vector.shape_cast %add3A_152 : vector<16xf32> to vector<1x16xf32>
      tpu.vector_store %arg7[%swap3A_154, %swap3A_155], %swap3A_158 {strides = array<i32>} : memref<1x128xf32, #tpu.memory_space<vmem>>, vector<1x16xf32>,
      %get3A_159 = arith.constant 0 : i32
      %get3A_160 = arith.constant 0 : i32
      %get3A_161 = tpu.memref_slice %arg6[%get3A_159, %get3A_160] : memref<16x128xf32, #tpu.memory_space<vmem>> -> memref<1x128xf32, #tpu.memory_space<vmem>>
      %get3A_162 = tpu.memref_squeeze %get3A_161 : memref<1x128xf32, #tpu.memory_space<vmem>> -> memref<128xf32, #tpu.memory_space<vmem>>
      %get3A_163 = arith.constant 32 : index
      %get3A_164 = tpu.vector_load %get3A_162[%get3A_163] {strides = array<i32>} : memref<128xf32, #tpu.memory_space<vmem>>, vector<16xf32>,
      %get3A_165 = vector.shape_cast %get3A_164 : vector<16xf32> to vector<16xf32>
      %get3A_166 = arith.constant 1 : i32
      %get3A_167 = arith.constant 0 : i32
      %get3A_168 = tpu.memref_slice %arg6[%get3A_166, %get3A_167] : memref<16x128xf32, #tpu.memory_space<vmem>> -> memref<1x128xf32, #tpu.memory_space<vmem>>
      %get3A_169 = tpu.memref_squeeze %get3A_168 : memref<1x128xf32, #tpu.memory_space<vmem>> -> memref<128xf32, #tpu.memory_space<vmem>>
      %get3A_170 = arith.constant 32 : index
      %get3A_171 = tpu.vector_load %get3A_169[%get3A_170] {strides = array<i32>} : memref<128xf32, #tpu.memory_space<vmem>>, vector<16xf32>,
      %get3A_172 = vector.shape_cast %get3A_171 : vector<16xf32> to vector<16xf32>
      %add3A_173 = arith.addf %get3A_165, %get3A_172 : vector<16xf32>
      %get3A_174 = arith.constant 2 : i32
      %get3A_175 = arith.constant 0 : i32
      %get3A_176 = tpu.memref_slice %arg6[%get3A_174, %get3A_175] : memref<16x128xf32, #tpu.memory_space<vmem>> -> memref<1x128xf32, #tpu.memory_space<vmem>>
      %get3A_177 = tpu.memref_squeeze %get3A_176 : memref<1x128xf32, #tpu.memory_space<vmem>> -> memref<128xf32, #tpu.memory_space<vmem>>
      %get3A_178 = arith.constant 32 : index
      %get3A_179 = tpu.vector_load %get3A_177[%get3A_178] {strides = array<i32>} : memref<128xf32, #tpu.memory_space<vmem>>, vector<16xf32>,
      %get3A_180 = vector.shape_cast %get3A_179 : vector<16xf32> to vector<16xf32>
      %add3A_181 = arith.addf %add3A_173, %get3A_180 : vector<16xf32>
      %get3A_182 = arith.constant 3 : i32
      %get3A_183 = arith.constant 0 : i32
      %get3A_184 = tpu.memref_slice %arg6[%get3A_182, %get3A_183] : memref<16x128xf32, #tpu.memory_space<vmem>> -> memref<1x128xf32, #tpu.memory_space<vmem>>
      %get3A_185 = tpu.memref_squeeze %get3A_184 : memref<1x128xf32, #tpu.memory_space<vmem>> -> memref<128xf32, #tpu.memory_space<vmem>>
      %get3A_186 = arith.constant 32 : index
      %get3A_187 = tpu.vector_load %get3A_185[%get3A_186] {strides = array<i32>} : memref<128xf32, #tpu.memory_space<vmem>>, vector<16xf32>,
      %get3A_188 = vector.shape_cast %get3A_187 : vector<16xf32> to vector<16xf32>
      %add3A_189 = arith.addf %add3A_181, %get3A_188 : vector<16xf32>
      %get3A_190 = arith.constant 4 : i32
      %get3A_191 = arith.constant 0 : i32
      %get3A_192 = tpu.memref_slice %arg6[%get3A_190, %get3A_191] : memref<16x128xf32, #tpu.memory_space<vmem>> -> memref<1x128xf32, #tpu.memory_space<vmem>>
      %get3A_193 = tpu.memref_squeeze %get3A_192 : memref<1x128xf32, #tpu.memory_space<vmem>> -> memref<128xf32, #tpu.memory_space<vmem>>
      %get3A_194 = arith.constant 32 : index
      %get3A_195 = tpu.vector_load %get3A_193[%get3A_194] {strides = array<i32>} : memref<128xf32, #tpu.memory_space<vmem>>, vector<16xf32>,
      %get3A_196 = vector.shape_cast %get3A_195 : vector<16xf32> to vector<16xf32>
      %add3A_197 = arith.addf %add3A_189, %get3A_196 : vector<16xf32>
      %get3A_198 = arith.constant 5 : i32
      %get3A_199 = arith.constant 0 : i32
      %get3A_200 = tpu.memref_slice %arg6[%get3A_198, %get3A_199] : memref<16x128xf32, #tpu.memory_space<vmem>> -> memref<1x128xf32, #tpu.memory_space<vmem>>
      %get3A_201 = tpu.memref_squeeze %get3A_200 : memref<1x128xf32, #tpu.memory_space<vmem>> -> memref<128xf32, #tpu.memory_space<vmem>>
      %get3A_202 = arith.constant 32 : index
      %get3A_203 = tpu.vector_load %get3A_201[%get3A_202] {strides = array<i32>} : memref<128xf32, #tpu.memory_space<vmem>>, vector<16xf32>,
      %get3A_204 = vector.shape_cast %get3A_203 : vector<16xf32> to vector<16xf32>
      %add3A_205 = arith.addf %add3A_197, %get3A_204 : vector<16xf32>
      %get3A_206 = arith.constant 6 : i32
      %get3A_207 = arith.constant 0 : i32
      %get3A_208 = tpu.memref_slice %arg6[%get3A_206, %get3A_207] : memref<16x128xf32, #tpu.memory_space<vmem>> -> memref<1x128xf32, #tpu.memory_space<vmem>>
      %get3A_209 = tpu.memref_squeeze %get3A_208 : memref<1x128xf32, #tpu.memory_space<vmem>> -> memref<128xf32, #tpu.memory_space<vmem>>
      %get3A_210 = arith.constant 32 : index
      %get3A_211 = tpu.vector_load %get3A_209[%get3A_210] {strides = array<i32>} : memref<128xf32, #tpu.memory_space<vmem>>, vector<16xf32>,
      %get3A_212 = vector.shape_cast %get3A_211 : vector<16xf32> to vector<16xf32>
      %add3A_213 = arith.addf %add3A_205, %get3A_212 : vector<16xf32>
      %get3A_214 = arith.constant 7 : i32
      %get3A_215 = arith.constant 0 : i32
      %get3A_216 = tpu.memref_slice %arg6[%get3A_214, %get3A_215] : memref<16x128xf32, #tpu.memory_space<vmem>> -> memref<1x128xf32, #tpu.memory_space<vmem>>
      %get3A_217 = tpu.memref_squeeze %get3A_216 : memref<1x128xf32, #tpu.memory_space<vmem>> -> memref<128xf32, #tpu.memory_space<vmem>>
      %get3A_218 = arith.constant 32 : index
      %get3A_219 = tpu.vector_load %get3A_217[%get3A_218] {strides = array<i32>} : memref<128xf32, #tpu.memory_space<vmem>>, vector<16xf32>,
      %get3A_220 = vector.shape_cast %get3A_219 : vector<16xf32> to vector<16xf32>
      %add3A_221 = arith.addf %add3A_213, %get3A_220 : vector<16xf32>
      %swap3A_222 = arith.constant 0 : i32
      %swap3A_223 = arith.index_cast %swap3A_222 : i32 to index
      %swap3A_224 = arith.constant 32 : index
      %swap3A_225 = tpu.vector_load %arg7[%swap3A_223, %swap3A_224] {strides = array<i32>} : memref<1x128xf32, #tpu.memory_space<vmem>>, vector<1x16xf32>,
      %swap3A_226 = vector.shape_cast %swap3A_225 : vector<1x16xf32> to vector<16xf32>
      %swap3A_227 = vector.shape_cast %add3A_221 : vector<16xf32> to vector<1x16xf32>
      tpu.vector_store %arg7[%swap3A_223, %swap3A_224], %swap3A_227 {strides = array<i32>} : memref<1x128xf32, #tpu.memory_space<vmem>>, vector<1x16xf32>,
      %get3A_228 = arith.constant 0 : i32
      %get3A_229 = arith.constant 0 : i32
      %get3A_230 = tpu.memref_slice %arg6[%get3A_228, %get3A_229] : memref<16x128xf32, #tpu.memory_space<vmem>> -> memref<1x128xf32, #tpu.memory_space<vmem>>
      %get3A_231 = tpu.memref_squeeze %get3A_230 : memref<1x128xf32, #tpu.memory_space<vmem>> -> memref<128xf32, #tpu.memory_space<vmem>>
      %get3A_232 = arith.constant 48 : index
      %get3A_233 = tpu.vector_load %get3A_231[%get3A_232] {strides = array<i32>} : memref<128xf32, #tpu.memory_space<vmem>>, vector<16xf32>,
      %get3A_234 = vector.shape_cast %get3A_233 : vector<16xf32> to vector<16xf32>
      %get3A_235 = arith.constant 1 : i32
      %get3A_236 = arith.constant 0 : i32
      %get3A_237 = tpu.memref_slice %arg6[%get3A_235, %get3A_236] : memref<16x128xf32, #tpu.memory_space<vmem>> -> memref<1x128xf32, #tpu.memory_space<vmem>>
      %get3A_238 = tpu.memref_squeeze %get3A_237 : memref<1x128xf32, #tpu.memory_space<vmem>> -> memref<128xf32, #tpu.memory_space<vmem>>
      %get3A_239 = arith.constant 48 : index
      %get3A_240 = tpu.vector_load %get3A_238[%get3A_239] {strides = array<i32>} : memref<128xf32, #tpu.memory_space<vmem>>, vector<16xf32>,
      %get3A_241 = vector.shape_cast %get3A_240 : vector<16xf32> to vector<16xf32>
      %add3A_242 = arith.addf %get3A_234, %get3A_241 : vector<16xf32>
      %get3A_243 = arith.constant 2 : i32
      %get3A_244 = arith.constant 0 : i32
      %get3A_245 = tpu.memref_slice %arg6[%get3A_243, %get3A_244] : memref<16x128xf32, #tpu.memory_space<vmem>> -> memref<1x128xf32, #tpu.memory_space<vmem>>
      %get3A_246 = tpu.memref_squeeze %get3A_245 : memref<1x128xf32, #tpu.memory_space<vmem>> -> memref<128xf32, #tpu.memory_space<vmem>>
      %get3A_247 = arith.constant 48 : index
      %get3A_248 = tpu.vector_load %get3A_246[%get3A_247] {strides = array<i32>} : memref<128xf32, #tpu.memory_space<vmem>>, vector<16xf32>,
      %get3A_249 = vector.shape_cast %get3A_248 : vector<16xf32> to vector<16xf32>
      %add3A_250 = arith.addf %add3A_242, %get3A_249 : vector<16xf32>
      %get3A_251 = arith.constant 3 : i32
      %get3A_252 = arith.constant 0 : i32
      %get3A_253 = tpu.memref_slice %arg6[%get3A_251, %get3A_252] : memref<16x128xf32, #tpu.memory_space<vmem>> -> memref<1x128xf32, #tpu.memory_space<vmem>>
      %get3A_254 = tpu.memref_squeeze %get3A_253 : memref<1x128xf32, #tpu.memory_space<vmem>> -> memref<128xf32, #tpu.memory_space<vmem>>
      %get3A_255 = arith.constant 48 : index
      %get3A_256 = tpu.vector_load %get3A_254[%get3A_255] {strides = array<i32>} : memref<128xf32, #tpu.memory_space<vmem>>, vector<16xf32>,
      %get3A_257 = vector.shape_cast %get3A_256 : vector<16xf32> to vector<16xf32>
      %add3A_258 = arith.addf %add3A_250, %get3A_257 : vector<16xf32>
      %get3A_259 = arith.constant 4 : i32
      %get3A_260 = arith.constant 0 : i32
      %get3A_261 = tpu.memref_slice %arg6[%get3A_259, %get3A_260] : memref<16x128xf32, #tpu.memory_space<vmem>> -> memref<1x128xf32, #tpu.memory_space<vmem>>
      %get3A_262 = tpu.memref_squeeze %get3A_261 : memref<1x128xf32, #tpu.memory_space<vmem>> -> memref<128xf32, #tpu.memory_space<vmem>>
      %get3A_263 = arith.constant 48 : index
      %get3A_264 = tpu.vector_load %get3A_262[%get3A_263] {strides = array<i32>} : memref<128xf32, #tpu.memory_space<vmem>>, vector<16xf32>,
      %get3A_265 = vector.shape_cast %get3A_264 : vector<16xf32> to vector<16xf32>
      %add3A_266 = arith.addf %add3A_258, %get3A_265 : vector<16xf32>
      %get3A_267 = arith.constant 5 : i32
      %get3A_268 = arith.constant 0 : i32
      %get3A_269 = tpu.memref_slice %arg6[%get3A_267, %get3A_268] : memref<16x128xf32, #tpu.memory_space<vmem>> -> memref<1x128xf32, #tpu.memory_space<vmem>>
      %get3A_270 = tpu.memref_squeeze %get3A_269 : memref<1x128xf32, #tpu.memory_space<vmem>> -> memref<128xf32, #tpu.memory_space<vmem>>
      %get3A_271 = arith.constant 48 : index
      %get3A_272 = tpu.vector_load %get3A_270[%get3A_271] {strides = array<i32>} : memref<128xf32, #tpu.memory_space<vmem>>, vector<16xf32>,
      %get3A_273 = vector.shape_cast %get3A_272 : vector<16xf32> to vector<16xf32>
      %add3A_274 = arith.addf %add3A_266, %get3A_273 : vector<16xf32>
      %get3A_275 = arith.constant 6 : i32
      %get3A_276 = arith.constant 0 : i32
      %get3A_277 = tpu.memref_slice %arg6[%get3A_275, %get3A_276] : memref<16x128xf32, #tpu.memory_space<vmem>> -> memref<1x128xf32, #tpu.memory_space<vmem>>
      %get3A_278 = tpu.memref_squeeze %get3A_277 : memref<1x128xf32, #tpu.memory_space<vmem>> -> memref<128xf32, #tpu.memory_space<vmem>>
      %get3A_279 = arith.constant 48 : index
      %get3A_280 = tpu.vector_load %get3A_278[%get3A_279] {strides = array<i32>} : memref<128xf32, #tpu.memory_space<vmem>>, vector<16xf32>,
      %get3A_281 = vector.shape_cast %get3A_280 : vector<16xf32> to vector<16xf32>
      %add3A_282 = arith.addf %add3A_274, %get3A_281 : vector<16xf32>
      %get3A_283 = arith.constant 7 : i32
      %get3A_284 = arith.constant 0 : i32
      %get3A_285 = tpu.memref_slice %arg6[%get3A_283, %get3A_284] : memref<16x128xf32, #tpu.memory_space<vmem>> -> memref<1x128xf32, #tpu.memory_space<vmem>>
      %get3A_286 = tpu.memref_squeeze %get3A_285 : memref<1x128xf32, #tpu.memory_space<vmem>> -> memref<128xf32, #tpu.memory_space<vmem>>
      %get3A_287 = arith.constant 48 : index
      %get3A_288 = tpu.vector_load %get3A_286[%get3A_287] {strides = array<i32>} : memref<128xf32, #tpu.memory_space<vmem>>, vector<16xf32>,
      %get3A_289 = vector.shape_cast %get3A_288 : vector<16xf32> to vector<16xf32>
      %add3A_290 = arith.addf %add3A_282, %get3A_289 : vector<16xf32>
      %swap3A_291 = arith.constant 0 : i32
      %swap3A_292 = arith.index_cast %swap3A_291 : i32 to index
      %swap3A_293 = arith.constant 48 : index
      %swap3A_294 = tpu.vector_load %arg7[%swap3A_292, %swap3A_293] {strides = array<i32>} : memref<1x128xf32, #tpu.memory_space<vmem>>, vector<1x16xf32>,
      %swap3A_295 = vector.shape_cast %swap3A_294 : vector<1x16xf32> to vector<16xf32>
      %swap3A_296 = vector.shape_cast %add3A_290 : vector<16xf32> to vector<1x16xf32>
      tpu.vector_store %arg7[%swap3A_292, %swap3A_293], %swap3A_296 {strides = array<i32>} : memref<1x128xf32, #tpu.memory_space<vmem>>, vector<1x16xf32>,
      %get3A_297 = arith.constant 0 : i32
      %get3A_298 = arith.constant 0 : i32
      %get3A_299 = tpu.memref_slice %arg6[%get3A_297, %get3A_298] : memref<16x128xf32, #tpu.memory_space<vmem>> -> memref<1x128xf32, #tpu.memory_space<vmem>>
      %get3A_300 = tpu.memref_squeeze %get3A_299 : memref<1x128xf32, #tpu.memory_space<vmem>> -> memref<128xf32, #tpu.memory_space<vmem>>
      %get3A_301 = arith.constant 64 : index
      %get3A_302 = tpu.vector_load %get3A_300[%get3A_301] {strides = array<i32>} : memref<128xf32, #tpu.memory_space<vmem>>, vector<16xf32>,
      %get3A_303 = vector.shape_cast %get3A_302 : vector<16xf32> to vector<16xf32>
      %get3A_304 = arith.constant 1 : i32
      %get3A_305 = arith.constant 0 : i32
      %get3A_306 = tpu.memref_slice %arg6[%get3A_304, %get3A_305] : memref<16x128xf32, #tpu.memory_space<vmem>> -> memref<1x128xf32, #tpu.memory_space<vmem>>
      %get3A_307 = tpu.memref_squeeze %get3A_306 : memref<1x128xf32, #tpu.memory_space<vmem>> -> memref<128xf32, #tpu.memory_space<vmem>>
      %get3A_308 = arith.constant 64 : index
      %get3A_309 = tpu.vector_load %get3A_307[%get3A_308] {strides = array<i32>} : memref<128xf32, #tpu.memory_space<vmem>>, vector<16xf32>,
      %get3A_310 = vector.shape_cast %get3A_309 : vector<16xf32> to vector<16xf32>
      %add3A_311 = arith.addf %get3A_303, %get3A_310 : vector<16xf32>
      %get3A_312 = arith.constant 2 : i32
      %get3A_313 = arith.constant 0 : i32
      %get3A_314 = tpu.memref_slice %arg6[%get3A_312, %get3A_313] : memref<16x128xf32, #tpu.memory_space<vmem>> -> memref<1x128xf32, #tpu.memory_space<vmem>>
      %get3A_315 = tpu.memref_squeeze %get3A_314 : memref<1x128xf32, #tpu.memory_space<vmem>> -> memref<128xf32, #tpu.memory_space<vmem>>
      %get3A_316 = arith.constant 64 : index
      %get3A_317 = tpu.vector_load %get3A_315[%get3A_316] {strides = array<i32>} : memref<128xf32, #tpu.memory_space<vmem>>, vector<16xf32>,
      %get3A_318 = vector.shape_cast %get3A_317 : vector<16xf32> to vector<16xf32>
      %add3A_319 = arith.addf %add3A_311, %get3A_318 : vector<16xf32>
      %get3A_320 = arith.constant 3 : i32
      %get3A_321 = arith.constant 0 : i32
      %get3A_322 = tpu.memref_slice %arg6[%get3A_320, %get3A_321] : memref<16x128xf32, #tpu.memory_space<vmem>> -> memref<1x128xf32, #tpu.memory_space<vmem>>
      %get3A_323 = tpu.memref_squeeze %get3A_322 : memref<1x128xf32, #tpu.memory_space<vmem>> -> memref<128xf32, #tpu.memory_space<vmem>>
      %get3A_324 = arith.constant 64 : index
      %get3A_325 = tpu.vector_load %get3A_323[%get3A_324] {strides = array<i32>} : memref<128xf32, #tpu.memory_space<vmem>>, vector<16xf32>,
      %get3A_326 = vector.shape_cast %get3A_325 : vector<16xf32> to vector<16xf32>
      %add3A_327 = arith.addf %add3A_319, %get3A_326 : vector<16xf32>
      %get3A_328 = arith.constant 4 : i32
      %get3A_329 = arith.constant 0 : i32
      %get3A_330 = tpu.memref_slice %arg6[%get3A_328, %get3A_329] : memref<16x128xf32, #tpu.memory_space<vmem>> -> memref<1x128xf32, #tpu.memory_space<vmem>>
      %get3A_331 = tpu.memref_squeeze %get3A_330 : memref<1x128xf32, #tpu.memory_space<vmem>> -> memref<128xf32, #tpu.memory_space<vmem>>
      %get3A_332 = arith.constant 64 : index
      %get3A_333 = tpu.vector_load %get3A_331[%get3A_332] {strides = array<i32>} : memref<128xf32, #tpu.memory_space<vmem>>, vector<16xf32>,
      %get3A_334 = vector.shape_cast %get3A_333 : vector<16xf32> to vector<16xf32>
      %add3A_335 = arith.addf %add3A_327, %get3A_334 : vector<16xf32>
      %get3A_336 = arith.constant 5 : i32
      %get3A_337 = arith.constant 0 : i32
      %get3A_338 = tpu.memref_slice %arg6[%get3A_336, %get3A_337] : memref<16x128xf32, #tpu.memory_space<vmem>> -> memref<1x128xf32, #tpu.memory_space<vmem>>
      %get3A_339 = tpu.memref_squeeze %get3A_338 : memref<1x128xf32, #tpu.memory_space<vmem>> -> memref<128xf32, #tpu.memory_space<vmem>>
      %get3A_340 = arith.constant 64 : index
      %get3A_341 = tpu.vector_load %get3A_339[%get3A_340] {strides = array<i32>} : memref<128xf32, #tpu.memory_space<vmem>>, vector<16xf32>,
      %get3A_342 = vector.shape_cast %get3A_341 : vector<16xf32> to vector<16xf32>
      %add3A_343 = arith.addf %add3A_335, %get3A_342 : vector<16xf32>
      %get3A_344 = arith.constant 6 : i32
      %get3A_345 = arith.constant 0 : i32
      %get3A_346 = tpu.memref_slice %arg6[%get3A_344, %get3A_345] : memref<16x128xf32, #tpu.memory_space<vmem>> -> memref<1x128xf32, #tpu.memory_space<vmem>>
      %get3A_347 = tpu.memref_squeeze %get3A_346 : memref<1x128xf32, #tpu.memory_space<vmem>> -> memref<128xf32, #tpu.memory_space<vmem>>
      %get3A_348 = arith.constant 64 : index
      %get3A_349 = tpu.vector_load %get3A_347[%get3A_348] {strides = array<i32>} : memref<128xf32, #tpu.memory_space<vmem>>, vector<16xf32>,
      %get3A_350 = vector.shape_cast %get3A_349 : vector<16xf32> to vector<16xf32>
      %add3A_351 = arith.addf %add3A_343, %get3A_350 : vector<16xf32>
      %get3A_352 = arith.constant 7 : i32
      %get3A_353 = arith.constant 0 : i32
      %get3A_354 = tpu.memref_slice %arg6[%get3A_352, %get3A_353] : memref<16x128xf32, #tpu.memory_space<vmem>> -> memref<1x128xf32, #tpu.memory_space<vmem>>
      %get3A_355 = tpu.memref_squeeze %get3A_354 : memref<1x128xf32, #tpu.memory_space<vmem>> -> memref<128xf32, #tpu.memory_space<vmem>>
      %get3A_356 = arith.constant 64 : index
      %get3A_357 = tpu.vector_load %get3A_355[%get3A_356] {strides = array<i32>} : memref<128xf32, #tpu.memory_space<vmem>>, vector<16xf32>,
      %get3A_358 = vector.shape_cast %get3A_357 : vector<16xf32> to vector<16xf32>
      %add3A_359 = arith.addf %add3A_351, %get3A_358 : vector<16xf32>
      %swap3A_360 = arith.constant 0 : i32
      %swap3A_361 = arith.index_cast %swap3A_360 : i32 to index
      %swap3A_362 = arith.constant 64 : index
      %swap3A_363 = tpu.vector_load %arg7[%swap3A_361, %swap3A_362] {strides = array<i32>} : memref<1x128xf32, #tpu.memory_space<vmem>>, vector<1x16xf32>,
      %swap3A_364 = vector.shape_cast %swap3A_363 : vector<1x16xf32> to vector<16xf32>
      %swap3A_365 = vector.shape_cast %add3A_359 : vector<16xf32> to vector<1x16xf32>
      tpu.vector_store %arg7[%swap3A_361, %swap3A_362], %swap3A_365 {strides = array<i32>} : memref<1x128xf32, #tpu.memory_space<vmem>>, vector<1x16xf32>,
      %get3A_366 = arith.constant 0 : i32
      %get3A_367 = arith.constant 0 : i32
      %get3A_368 = tpu.memref_slice %arg6[%get3A_366, %get3A_367] : memref<16x128xf32, #tpu.memory_space<vmem>> -> memref<1x128xf32, #tpu.memory_space<vmem>>
      %get3A_369 = tpu.memref_squeeze %get3A_368 : memref<1x128xf32, #tpu.memory_space<vmem>> -> memref<128xf32, #tpu.memory_space<vmem>>
      %get3A_370 = arith.constant 80 : index
      %get3A_371 = tpu.vector_load %get3A_369[%get3A_370] {strides = array<i32>} : memref<128xf32, #tpu.memory_space<vmem>>, vector<16xf32>,
      %get3A_372 = vector.shape_cast %get3A_371 : vector<16xf32> to vector<16xf32>
      %get3A_373 = arith.constant 1 : i32
      %get3A_374 = arith.constant 0 : i32
      %get3A_375 = tpu.memref_slice %arg6[%get3A_373, %get3A_374] : memref<16x128xf32, #tpu.memory_space<vmem>> -> memref<1x128xf32, #tpu.memory_space<vmem>>
      %get3A_376 = tpu.memref_squeeze %get3A_375 : memref<1x128xf32, #tpu.memory_space<vmem>> -> memref<128xf32, #tpu.memory_space<vmem>>
      %get3A_377 = arith.constant 80 : index
      %get3A_378 = tpu.vector_load %get3A_376[%get3A_377] {strides = array<i32>} : memref<128xf32, #tpu.memory_space<vmem>>, vector<16xf32>,
      %get3A_379 = vector.shape_cast %get3A_378 : vector<16xf32> to vector<16xf32>
      %add3A_380 = arith.addf %get3A_372, %get3A_379 : vector<16xf32>
      %get3A_381 = arith.constant 2 : i32
      %get3A_382 = arith.constant 0 : i32
      %get3A_383 = tpu.memref_slice %arg6[%get3A_381, %get3A_382] : memref<16x128xf32, #tpu.memory_space<vmem>> -> memref<1x128xf32, #tpu.memory_space<vmem>>
      %get3A_384 = tpu.memref_squeeze %get3A_383 : memref<1x128xf32, #tpu.memory_space<vmem>> -> memref<128xf32, #tpu.memory_space<vmem>>
      %get3A_385 = arith.constant 80 : index
      %get3A_386 = tpu.vector_load %get3A_384[%get3A_385] {strides = array<i32>} : memref<128xf32, #tpu.memory_space<vmem>>, vector<16xf32>,
      %get3A_387 = vector.shape_cast %get3A_386 : vector<16xf32> to vector<16xf32>
      %add3A_388 = arith.addf %add3A_380, %get3A_387 : vector<16xf32>
      %get3A_389 = arith.constant 3 : i32
      %get3A_390 = arith.constant 0 : i32
      %get3A_391 = tpu.memref_slice %arg6[%get3A_389, %get3A_390] : memref<16x128xf32, #tpu.memory_space<vmem>> -> memref<1x128xf32, #tpu.memory_space<vmem>>
      %get3A_392 = tpu.memref_squeeze %get3A_391 : memref<1x128xf32, #tpu.memory_space<vmem>> -> memref<128xf32, #tpu.memory_space<vmem>>
      %get3A_393 = arith.constant 80 : index
      %get3A_394 = tpu.vector_load %get3A_392[%get3A_393] {strides = array<i32>} : memref<128xf32, #tpu.memory_space<vmem>>, vector<16xf32>,
      %get3A_395 = vector.shape_cast %get3A_394 : vector<16xf32> to vector<16xf32>
      %add3A_396 = arith.addf %add3A_388, %get3A_395 : vector<16xf32>
      %get3A_397 = arith.constant 4 : i32
      %get3A_398 = arith.constant 0 : i32
      %get3A_399 = tpu.memref_slice %arg6[%get3A_397, %get3A_398] : memref<16x128xf32, #tpu.memory_space<vmem>> -> memref<1x128xf32, #tpu.memory_space<vmem>>
      %get3A_400 = tpu.memref_squeeze %get3A_399 : memref<1x128xf32, #tpu.memory_space<vmem>> -> memref<128xf32, #tpu.memory_space<vmem>>
      %get3A_401 = arith.constant 80 : index
      %get3A_402 = tpu.vector_load %get3A_400[%get3A_401] {strides = array<i32>} : memref<128xf32, #tpu.memory_space<vmem>>, vector<16xf32>,
      %get3A_403 = vector.shape_cast %get3A_402 : vector<16xf32> to vector<16xf32>
      %add3A_404 = arith.addf %add3A_396, %get3A_403 : vector<16xf32>
      %get3A_405 = arith.constant 5 : i32
      %get3A_406 = arith.constant 0 : i32
      %get3A_407 = tpu.memref_slice %arg6[%get3A_405, %get3A_406] : memref<16x128xf32, #tpu.memory_space<vmem>> -> memref<1x128xf32, #tpu.memory_space<vmem>>
      %get3A_408 = tpu.memref_squeeze %get3A_407 : memref<1x128xf32, #tpu.memory_space<vmem>> -> memref<128xf32, #tpu.memory_space<vmem>>
      %get3A_409 = arith.constant 80 : index
      %get3A_410 = tpu.vector_load %get3A_408[%get3A_409] {strides = array<i32>} : memref<128xf32, #tpu.memory_space<vmem>>, vector<16xf32>,
      %get3A_411 = vector.shape_cast %get3A_410 : vector<16xf32> to vector<16xf32>
      %add3A_412 = arith.addf %add3A_404, %get3A_411 : vector<16xf32>
      %get3A_413 = arith.constant 6 : i32
      %get3A_414 = arith.constant 0 : i32
      %get3A_415 = tpu.memref_slice %arg6[%get3A_413, %get3A_414] : memref<16x128xf32, #tpu.memory_space<vmem>> -> memref<1x128xf32, #tpu.memory_space<vmem>>
      %get3A_416 = tpu.memref_squeeze %get3A_415 : memref<1x128xf32, #tpu.memory_space<vmem>> -> memref<128xf32, #tpu.memory_space<vmem>>
      %get3A_417 = arith.constant 80 : index
      %get3A_418 = tpu.vector_load %get3A_416[%get3A_417] {strides = array<i32>} : memref<128xf32, #tpu.memory_space<vmem>>, vector<16xf32>,
      %get3A_419 = vector.shape_cast %get3A_418 : vector<16xf32> to vector<16xf32>
      %add3A_420 = arith.addf %add3A_412, %get3A_419 : vector<16xf32>
      %get3A_421 = arith.constant 7 : i32
      %get3A_422 = arith.constant 0 : i32
      %get3A_423 = tpu.memref_slice %arg6[%get3A_421, %get3A_422] : memref<16x128xf32, #tpu.memory_space<vmem>> -> memref<1x128xf32, #tpu.memory_space<vmem>>
      %get3A_424 = tpu.memref_squeeze %get3A_423 : memref<1x128xf32, #tpu.memory_space<vmem>> -> memref<128xf32, #tpu.memory_space<vmem>>
      %get3A_425 = arith.constant 80 : index
      %get3A_426 = tpu.vector_load %get3A_424[%get3A_425] {strides = array<i32>} : memref<128xf32, #tpu.memory_space<vmem>>, vector<16xf32>,
      %get3A_427 = vector.shape_cast %get3A_426 : vector<16xf32> to vector<16xf32>
      %add3A_428 = arith.addf %add3A_420, %get3A_427 : vector<16xf32>
      %swap3A_429 = arith.constant 0 : i32
      %swap3A_430 = arith.index_cast %swap3A_429 : i32 to index
      %swap3A_431 = arith.constant 80 : index
      %swap3A_432 = tpu.vector_load %arg7[%swap3A_430, %swap3A_431] {strides = array<i32>} : memref<1x128xf32, #tpu.memory_space<vmem>>, vector<1x16xf32>,
      %swap3A_433 = vector.shape_cast %swap3A_432 : vector<1x16xf32> to vector<16xf32>
      %swap3A_434 = vector.shape_cast %add3A_428 : vector<16xf32> to vector<1x16xf32>
      tpu.vector_store %arg7[%swap3A_430, %swap3A_431], %swap3A_434 {strides = array<i32>} : memref<1x128xf32, #tpu.memory_space<vmem>>, vector<1x16xf32>,
      %get3A_435 = arith.constant 0 : i32
      %get3A_436 = arith.constant 0 : i32
      %get3A_437 = tpu.memref_slice %arg6[%get3A_435, %get3A_436] : memref<16x128xf32, #tpu.memory_space<vmem>> -> memref<1x128xf32, #tpu.memory_space<vmem>>
      %get3A_438 = tpu.memref_squeeze %get3A_437 : memref<1x128xf32, #tpu.memory_space<vmem>> -> memref<128xf32, #tpu.memory_space<vmem>>
      %get3A_439 = arith.constant 96 : index
      %get3A_440 = tpu.vector_load %get3A_438[%get3A_439] {strides = array<i32>} : memref<128xf32, #tpu.memory_space<vmem>>, vector<16xf32>,
      %get3A_441 = vector.shape_cast %get3A_440 : vector<16xf32> to vector<16xf32>
      %get3A_442 = arith.constant 1 : i32
      %get3A_443 = arith.constant 0 : i32
      %get3A_444 = tpu.memref_slice %arg6[%get3A_442, %get3A_443] : memref<16x128xf32, #tpu.memory_space<vmem>> -> memref<1x128xf32, #tpu.memory_space<vmem>>
      %get3A_445 = tpu.memref_squeeze %get3A_444 : memref<1x128xf32, #tpu.memory_space<vmem>> -> memref<128xf32, #tpu.memory_space<vmem>>
      %get3A_446 = arith.constant 96 : index
      %get3A_447 = tpu.vector_load %get3A_445[%get3A_446] {strides = array<i32>} : memref<128xf32, #tpu.memory_space<vmem>>, vector<16xf32>,
      %get3A_448 = vector.shape_cast %get3A_447 : vector<16xf32> to vector<16xf32>
      %add3A_449 = arith.addf %get3A_441, %get3A_448 : vector<16xf32>
      %get3A_450 = arith.constant 2 : i32
      %get3A_451 = arith.constant 0 : i32
      %get3A_452 = tpu.memref_slice %arg6[%get3A_450, %get3A_451] : memref<16x128xf32, #tpu.memory_space<vmem>> -> memref<1x128xf32, #tpu.memory_space<vmem>>
      %get3A_453 = tpu.memref_squeeze %get3A_452 : memref<1x128xf32, #tpu.memory_space<vmem>> -> memref<128xf32, #tpu.memory_space<vmem>>
      %get3A_454 = arith.constant 96 : index
      %get3A_455 = tpu.vector_load %get3A_453[%get3A_454] {strides = array<i32>} : memref<128xf32, #tpu.memory_space<vmem>>, vector<16xf32>,
      %get3A_456 = vector.shape_cast %get3A_455 : vector<16xf32> to vector<16xf32>
      %add3A_457 = arith.addf %add3A_449, %get3A_456 : vector<16xf32>
      %get3A_458 = arith.constant 3 : i32
      %get3A_459 = arith.constant 0 : i32
      %get3A_460 = tpu.memref_slice %arg6[%get3A_458, %get3A_459] : memref<16x128xf32, #tpu.memory_space<vmem>> -> memref<1x128xf32, #tpu.memory_space<vmem>>
      %get3A_461 = tpu.memref_squeeze %get3A_460 : memref<1x128xf32, #tpu.memory_space<vmem>> -> memref<128xf32, #tpu.memory_space<vmem>>
      %get3A_462 = arith.constant 96 : index
      %get3A_463 = tpu.vector_load %get3A_461[%get3A_462] {strides = array<i32>} : memref<128xf32, #tpu.memory_space<vmem>>, vector<16xf32>,
      %get3A_464 = vector.shape_cast %get3A_463 : vector<16xf32> to vector<16xf32>
      %add3A_465 = arith.addf %add3A_457, %get3A_464 : vector<16xf32>
      %get3A_466 = arith.constant 4 : i32
      %get3A_467 = arith.constant 0 : i32
      %get3A_468 = tpu.memref_slice %arg6[%get3A_466, %get3A_467] : memref<16x128xf32, #tpu.memory_space<vmem>> -> memref<1x128xf32, #tpu.memory_space<vmem>>
      %get3A_469 = tpu.memref_squeeze %get3A_468 : memref<1x128xf32, #tpu.memory_space<vmem>> -> memref<128xf32, #tpu.memory_space<vmem>>
      %get3A_470 = arith.constant 96 : index
      %get3A_471 = tpu.vector_load %get3A_469[%get3A_470] {strides = array<i32>} : memref<128xf32, #tpu.memory_space<vmem>>, vector<16xf32>,
      %get3A_472 = vector.shape_cast %get3A_471 : vector<16xf32> to vector<16xf32>
      %add3A_473 = arith.addf %add3A_465, %get3A_472 : vector<16xf32>
      %get3A_474 = arith.constant 5 : i32
      %get3A_475 = arith.constant 0 : i32
      %get3A_476 = tpu.memref_slice %arg6[%get3A_474, %get3A_475] : memref<16x128xf32, #tpu.memory_space<vmem>> -> memref<1x128xf32, #tpu.memory_space<vmem>>
      %get3A_477 = tpu.memref_squeeze %get3A_476 : memref<1x128xf32, #tpu.memory_space<vmem>> -> memref<128xf32, #tpu.memory_space<vmem>>
      %get3A_478 = arith.constant 96 : index
      %get3A_479 = tpu.vector_load %get3A_477[%get3A_478] {strides = array<i32>} : memref<128xf32, #tpu.memory_space<vmem>>, vector<16xf32>,
      %get3A_480 = vector.shape_cast %get3A_479 : vector<16xf32> to vector<16xf32>
      %add3A_481 = arith.addf %add3A_473, %get3A_480 : vector<16xf32>
      %get3A_482 = arith.constant 6 : i32
      %get3A_483 = arith.constant 0 : i32
      %get3A_484 = tpu.memref_slice %arg6[%get3A_482, %get3A_483] : memref<16x128xf32, #tpu.memory_space<vmem>> -> memref<1x128xf32, #tpu.memory_space<vmem>>
      %get3A_485 = tpu.memref_squeeze %get3A_484 : memref<1x128xf32, #tpu.memory_space<vmem>> -> memref<128xf32, #tpu.memory_space<vmem>>
      %get3A_486 = arith.constant 96 : index
      %get3A_487 = tpu.vector_load %get3A_485[%get3A_486] {strides = array<i32>} : memref<128xf32, #tpu.memory_space<vmem>>, vector<16xf32>,
      %get3A_488 = vector.shape_cast %get3A_487 : vector<16xf32> to vector<16xf32>
      %add3A_489 = arith.addf %add3A_481, %get3A_488 : vector<16xf32>
      %get3A_490 = arith.constant 7 : i32
      %get3A_491 = arith.constant 0 : i32
      %get3A_492 = tpu.memref_slice %arg6[%get3A_490, %get3A_491] : memref<16x128xf32, #tpu.memory_space<vmem>> -> memref<1x128xf32, #tpu.memory_space<vmem>>
      %get3A_493 = tpu.memref_squeeze %get3A_492 : memref<1x128xf32, #tpu.memory_space<vmem>> -> memref<128xf32, #tpu.memory_space<vmem>>
      %get3A_494 = arith.constant 96 : index
      %get3A_495 = tpu.vector_load %get3A_493[%get3A_494] {strides = array<i32>} : memref<128xf32, #tpu.memory_space<vmem>>, vector<16xf32>,
      %get3A_496 = vector.shape_cast %get3A_495 : vector<16xf32> to vector<16xf32>
      %add3A_497 = arith.addf %add3A_489, %get3A_496 : vector<16xf32>
      %swap3A_498 = arith.constant 0 : i32
      %swap3A_499 = arith.index_cast %swap3A_498 : i32 to index
      %swap3A_500 = arith.constant 96 : index
      %swap3A_501 = tpu.vector_load %arg7[%swap3A_499, %swap3A_500] {strides = array<i32>} : memref<1x128xf32, #tpu.memory_space<vmem>>, vector<1x16xf32>,
      %swap3A_502 = vector.shape_cast %swap3A_501 : vector<1x16xf32> to vector<16xf32>
      %swap3A_503 = vector.shape_cast %add3A_497 : vector<16xf32> to vector<1x16xf32>
      tpu.vector_store %arg7[%swap3A_499, %swap3A_500], %swap3A_503 {strides = array<i32>} : memref<1x128xf32, #tpu.memory_space<vmem>>, vector<1x16xf32>,
      %get3A_504 = arith.constant 0 : i32
      %get3A_505 = arith.constant 0 : i32
      %get3A_506 = tpu.memref_slice %arg6[%get3A_504, %get3A_505] : memref<16x128xf32, #tpu.memory_space<vmem>> -> memref<1x128xf32, #tpu.memory_space<vmem>>
      %get3A_507 = tpu.memref_squeeze %get3A_506 : memref<1x128xf32, #tpu.memory_space<vmem>> -> memref<128xf32, #tpu.memory_space<vmem>>
      %get3A_508 = arith.constant 112 : index
      %get3A_509 = tpu.vector_load %get3A_507[%get3A_508] {strides = array<i32>} : memref<128xf32, #tpu.memory_space<vmem>>, vector<16xf32>,
      %get3A_510 = vector.shape_cast %get3A_509 : vector<16xf32> to vector<16xf32>
      %get3A_511 = arith.constant 1 : i32
      %get3A_512 = arith.constant 0 : i32
      %get3A_513 = tpu.memref_slice %arg6[%get3A_511, %get3A_512] : memref<16x128xf32, #tpu.memory_space<vmem>> -> memref<1x128xf32, #tpu.memory_space<vmem>>
      %get3A_514 = tpu.memref_squeeze %get3A_513 : memref<1x128xf32, #tpu.memory_space<vmem>> -> memref<128xf32, #tpu.memory_space<vmem>>
      %get3A_515 = arith.constant 112 : index
      %get3A_516 = tpu.vector_load %get3A_514[%get3A_515] {strides = array<i32>} : memref<128xf32, #tpu.memory_space<vmem>>, vector<16xf32>,
      %get3A_517 = vector.shape_cast %get3A_516 : vector<16xf32> to vector<16xf32>
      %add3A_518 = arith.addf %get3A_510, %get3A_517 : vector<16xf32>
      %get3A_519 = arith.constant 2 : i32
      %get3A_520 = arith.constant 0 : i32
      %get3A_521 = tpu.memref_slice %arg6[%get3A_519, %get3A_520] : memref<16x128xf32, #tpu.memory_space<vmem>> -> memref<1x128xf32, #tpu.memory_space<vmem>>
      %get3A_522 = tpu.memref_squeeze %get3A_521 : memref<1x128xf32, #tpu.memory_space<vmem>> -> memref<128xf32, #tpu.memory_space<vmem>>
      %get3A_523 = arith.constant 112 : index
      %get3A_524 = tpu.vector_load %get3A_522[%get3A_523] {strides = array<i32>} : memref<128xf32, #tpu.memory_space<vmem>>, vector<16xf32>,
      %get3A_525 = vector.shape_cast %get3A_524 : vector<16xf32> to vector<16xf32>
      %add3A_526 = arith.addf %add3A_518, %get3A_525 : vector<16xf32>
      %get3A_527 = arith.constant 3 : i32
      %get3A_528 = arith.constant 0 : i32
      %get3A_529 = tpu.memref_slice %arg6[%get3A_527, %get3A_528] : memref<16x128xf32, #tpu.memory_space<vmem>> -> memref<1x128xf32, #tpu.memory_space<vmem>>
      %get3A_530 = tpu.memref_squeeze %get3A_529 : memref<1x128xf32, #tpu.memory_space<vmem>> -> memref<128xf32, #tpu.memory_space<vmem>>
      %get3A_531 = arith.constant 112 : index
      %get3A_532 = tpu.vector_load %get3A_530[%get3A_531] {strides = array<i32>} : memref<128xf32, #tpu.memory_space<vmem>>, vector<16xf32>,
      %get3A_533 = vector.shape_cast %get3A_532 : vector<16xf32> to vector<16xf32>
      %add3A_534 = arith.addf %add3A_526, %get3A_533 : vector<16xf32>
      %get3A_535 = arith.constant 4 : i32
      %get3A_536 = arith.constant 0 : i32
      %get3A_537 = tpu.memref_slice %arg6[%get3A_535, %get3A_536] : memref<16x128xf32, #tpu.memory_space<vmem>> -> memref<1x128xf32, #tpu.memory_space<vmem>>
      %get3A_538 = tpu.memref_squeeze %get3A_537 : memref<1x128xf32, #tpu.memory_space<vmem>> -> memref<128xf32, #tpu.memory_space<vmem>>
      %get3A_539 = arith.constant 112 : index
      %get3A_540 = tpu.vector_load %get3A_538[%get3A_539] {strides = array<i32>} : memref<128xf32, #tpu.memory_space<vmem>>, vector<16xf32>,
      %get3A_541 = vector.shape_cast %get3A_540 : vector<16xf32> to vector<16xf32>
      %add3A_542 = arith.addf %add3A_534, %get3A_541 : vector<16xf32>
      %get3A_543 = arith.constant 5 : i32
      %get3A_544 = arith.constant 0 : i32
      %get3A_545 = tpu.memref_slice %arg6[%get3A_543, %get3A_544] : memref<16x128xf32, #tpu.memory_space<vmem>> -> memref<1x128xf32, #tpu.memory_space<vmem>>
      %get3A_546 = tpu.memref_squeeze %get3A_545 : memref<1x128xf32, #tpu.memory_space<vmem>> -> memref<128xf32, #tpu.memory_space<vmem>>
      %get3A_547 = arith.constant 112 : index
      %get3A_548 = tpu.vector_load %get3A_546[%get3A_547] {strides = array<i32>} : memref<128xf32, #tpu.memory_space<vmem>>, vector<16xf32>,
      %get3A_549 = vector.shape_cast %get3A_548 : vector<16xf32> to vector<16xf32>
      %add3A_550 = arith.addf %add3A_542, %get3A_549 : vector<16xf32>
      %get3A_551 = arith.constant 6 : i32
      %get3A_552 = arith.constant 0 : i32
      %get3A_553 = tpu.memref_slice %arg6[%get3A_551, %get3A_552] : memref<16x128xf32, #tpu.memory_space<vmem>> -> memref<1x128xf32, #tpu.memory_space<vmem>>
      %get3A_554 = tpu.memref_squeeze %get3A_553 : memref<1x128xf32, #tpu.memory_space<vmem>> -> memref<128xf32, #tpu.memory_space<vmem>>
      %get3A_555 = arith.constant 112 : index
      %get3A_556 = tpu.vector_load %get3A_554[%get3A_555] {strides = array<i32>} : memref<128xf32, #tpu.memory_space<vmem>>, vector<16xf32>,
      %get3A_557 = vector.shape_cast %get3A_556 : vector<16xf32> to vector<16xf32>
      %add3A_558 = arith.addf %add3A_550, %get3A_557 : vector<16xf32>
      %get3A_559 = arith.constant 7 : i32
      %get3A_560 = arith.constant 0 : i32
      %get3A_561 = tpu.memref_slice %arg6[%get3A_559, %get3A_560] : memref<16x128xf32, #tpu.memory_space<vmem>> -> memref<1x128xf32, #tpu.memory_space<vmem>>
      %get3A_562 = tpu.memref_squeeze %get3A_561 : memref<1x128xf32, #tpu.memory_space<vmem>> -> memref<128xf32, #tpu.memory_space<vmem>>
      %get3A_563 = arith.constant 112 : index
      %get3A_564 = tpu.vector_load %get3A_562[%get3A_563] {strides = array<i32>} : memref<128xf32, #tpu.memory_space<vmem>>, vector<16xf32>,
      %get3A_565 = vector.shape_cast %get3A_564 : vector<16xf32> to vector<16xf32>
      %add3A_566 = arith.addf %add3A_558, %get3A_565 : vector<16xf32>
      %swap3A_567 = arith.constant 0 : i32
      %swap3A_568 = arith.index_cast %swap3A_567 : i32 to index
      %swap3A_569 = arith.constant 112 : index
      %swap3A_570 = tpu.vector_load %arg7[%swap3A_568, %swap3A_569] {strides = array<i32>} : memref<1x128xf32, #tpu.memory_space<vmem>>, vector<1x16xf32>,
      %swap3A_571 = vector.shape_cast %swap3A_570 : vector<1x16xf32> to vector<16xf32>
      %swap3A_572 = vector.shape_cast %add3A_566 : vector<16xf32> to vector<1x16xf32>
      tpu.vector_store %arg7[%swap3A_568, %swap3A_569], %swap3A_572 {strides = array<i32>} : memref<1x128xf32, #tpu.memory_space<vmem>>, vector<1x16xf32>,
    } else {
    }
    %le3A = arith.constant 12 : i32
    %le3A_6 = arith.cmpi sle, %arg1, %le3A : i32
    %convert_element_type3A_7 = arith.extui %le3A_6 : i1 to i32
    %cond3A_8 = arith.constant 0 : i32
    %cond3A_9 = arith.cmpi ne, %convert_element_type3A_7, %cond3A_8 : i32
    scf.if %cond3A_9 {
      "tpu.region"() ({
        %run_scoped3A = tpu.sem_alloc : memref<!tpu.dma_semaphore, #tpu.memory_space<semaphore_mem>>
        %dma_start3A = arith.constant 0 : i32
        %dma_start3A_10 = tpu.memref_slice %arg4[%arg1, %dma_start3A] : memref<13x128xf32, #tpu.memory_space<hbm>> -> memref<1x128xf32, #tpu.memory_space<hbm>>
        %dma_start3A_11 = arith.constant 0 : i32
        %dma_start3A_12 = tpu.memref_slice %arg4[%arg1, %dma_start3A_11] : memref<13x128xf32, #tpu.memory_space<hbm>> -> memref<1x128xf32, #tpu.memory_space<hbm>>
        tpu.enqueue_dma source(%arg7 : memref<1x128xf32, #tpu.memory_space<vmem>>) target(%dma_start3A_12 : memref<1x128xf32, #tpu.memory_space<hbm>>) target_semaphore(%run_scoped3A : memref<!tpu.dma_semaphore, #tpu.memory_space<semaphore_mem>>)
        %dma_wait3A = arith.constant 0 : i32
        %dma_wait3A_13 = tpu.memref_slice %arg4[%arg1, %dma_wait3A] : memref<13x128xf32, #tpu.memory_space<hbm>> -> memref<1x128xf32, #tpu.memory_space<hbm>>
        %dma_wait3A_14 = arith.constant 0 : i32
        %dma_wait3A_15 = tpu.memref_slice %arg4[%arg1, %dma_wait3A_14] : memref<13x128xf32, #tpu.memory_space<hbm>> -> memref<1x128xf32, #tpu.memory_space<hbm>>
        tpu.wait_dma2 semaphore(%run_scoped3A : memref<!tpu.dma_semaphore, #tpu.memory_space<semaphore_mem>>) src(%arg7 : memref<1x128xf32, #tpu.memory_space<vmem>>) dst(%dma_wait3A_15 : memref<1x128xf32, #tpu.memory_space<hbm>>)
        tpu.yield
      }) : () -> ()
    } else {
    }
    return
  }
}

module attributes {stable_mosaic.version = 14 : i64} {
  func.func @_main_body(%arg0: i32, %arg1: memref<13x128xf32, #tpu.memory_space<vmem>>, %arg2: memref<128x128xf32, #tpu.memory_space<vmem>>, %arg3: memref<128xf32, #tpu.memory_space<vmem>>, %arg4: memref<25600x128xf32, #tpu.memory_space<vmem>>, %arg5: memref<25600xf32, #tpu.memory_space<vmem>>, %arg6: memref<1x100000xf32, #tpu.memory_space<vmem>>, %arg7: memref<1x128xf32, #tpu.memory_space<vmem>>, %arg8: memref<1xf32, #tpu.memory_space<smem>>, %arg9: memref<1xf32, #tpu.memory_space<smem>>) attributes {dimension_semantics = [#tpu.dimension_semantics<arbitrary>], iteration_bounds = array<i64: 4>, scalar_prefetch = 0 : i64, scratch_operands = 3 : i64, tpu.core_type = #tpu.core_type<tc>, window_params = [{pipeline_mode = #tpu.pipeline_mode<synchronous>, transform_indices = @transform_0, window_bounds = array<i64: 13, 128>}, {pipeline_mode = #tpu.pipeline_mode<synchronous>, transform_indices = @transform_1, window_bounds = array<i64: 128, 128>}, {pipeline_mode = #tpu.pipeline_mode<synchronous>, transform_indices = @transform_2, window_bounds = array<i64: 128>}, {transform_indices = @transform_3, window_bounds = array<i64: 25600, 128>}, {transform_indices = @transform_4, window_bounds = array<i64: 25600>}, {pipeline_mode = #tpu.pipeline_mode<synchronous>, transform_indices = @transform_5, window_bounds = array<i64: 1, 100000>}]} {
    %eq3A = arith.constant 0 : i32
    %eq3A_0 = arith.cmpi eq, %arg0, %eq3A : i32
    %convert_element_type3A = arith.extui %eq3A_0 : i1 to i32
    %cond3A = arith.constant 0 : i32
    %cond3A_1 = arith.cmpi ne, %convert_element_type3A, %cond3A : i32
    scf.if %cond3A_1 {
      %get3A_53 = arith.constant 0 : index
      %get3A_54 = arith.constant 0 : index
      %get3A_55 = vector.load %arg1[%get3A_53, %get3A_54] : memref<13x128xf32, #tpu.memory_space<vmem>>, vector<13x128xf32>
      %reduce_sum3A_56 = arith.constant dense<0.000000e+00> : vector<128xf32>
      %reduce_sum3A_57 = vector.multi_reduction <add>, %get3A_55, %reduce_sum3A_56 [0] : vector<13x128xf32> to vector<128xf32>
      %broadcast_in_dim3A_58 = vector.shape_cast %reduce_sum3A_57 : vector<128xf32> to vector<1x128xf32>
      %get3A_59 = arith.constant 0 : index
      %get3A_60 = arith.constant 0 : index
      %get3A_61 = vector.load %arg2[%get3A_59, %get3A_60] : memref<128x128xf32, #tpu.memory_space<vmem>>, vector<128x128xf32>
      %dot_general3A_62 = arith.constant dense<0.000000e+00> : vector<1x128xf32>
      %dot_general3A_63 = tpu.matmul %broadcast_in_dim3A_58, %get3A_61, %dot_general3A_62 {dimension_numbers = #tpu.dot_dimension_numbers<[1], [1], [0], [0], [0, 0, 1, 0], [], []>, transpose_lhs_hint = false} : vector<1x128xf32>, vector<128x128xf32>, vector<1x128xf32> -> vector<1x128xf32>
      %get3A_64 = arith.constant 0 : index
      %get3A_65 = vector.load %arg3[%get3A_64] : memref<128xf32, #tpu.memory_space<vmem>>, vector<128xf32>
      %reshape3A_66 = vector.shape_cast %get3A_65 : vector<128xf32> to vector<1x128xf32>
      %add3A_67 = arith.addf %dot_general3A_63, %reshape3A_66 : vector<1x128xf32>
      %max3A_68 = arith.constant 0.000000e+00 : f32
      %max3A_69 = vector.broadcast %max3A_68 : f32 to vector<1x128xf32>
      %max3A_70 = arith.maximumf %add3A_67, %max3A_69 : vector<1x128xf32>
      %swap3A_71 = arith.constant 0 : index
      %swap3A_72 = arith.constant 0 : index
      %swap3A_73 = vector.load %arg7[%swap3A_71, %swap3A_72] : memref<1x128xf32, #tpu.memory_space<vmem>>, vector<1x128xf32>
      tpu.vector_store %arg7[%swap3A_71, %swap3A_72], %max3A_70 {strides = array<i32>} : memref<1x128xf32, #tpu.memory_space<vmem>>, vector<1x128xf32>,
      %swap3A_74 = arith.constant 0xFF800000 : f32
      %swap3A_75 = arith.constant 0 : index
      %swap3A_76 = memref.load %arg8[%swap3A_75] : memref<1xf32, #tpu.memory_space<smem>>
      memref.store %swap3A_74, %arg8[%swap3A_75] : memref<1xf32, #tpu.memory_space<smem>>
      %swap3A_77 = arith.constant 0.000000e+00 : f32
      %swap3A_78 = arith.constant 0 : index
      %swap3A_79 = memref.load %arg9[%swap3A_78] : memref<1xf32, #tpu.memory_space<smem>>
      memref.store %swap3A_77, %arg9[%swap3A_78] : memref<1xf32, #tpu.memory_space<smem>>
    } else {
    }
    %get3A = arith.constant 0 : index
    %get3A_2 = arith.constant 0 : index
    %get3A_3 = vector.load %arg7[%get3A, %get3A_2] : memref<1x128xf32, #tpu.memory_space<vmem>>, vector<1x128xf32>
    %get3A_4 = arith.constant 0 : index
    %get3A_5 = arith.constant 0 : index
    %get3A_6 = vector.load %arg4[%get3A_4, %get3A_5] : memref<25600x128xf32, #tpu.memory_space<vmem>>, vector<25600x128xf32>
    %dot_general3A = arith.constant dense<0.000000e+00> : vector<1x25600xf32>
    %dot_general3A_7 = tpu.matmul %get3A_3, %get3A_6, %dot_general3A {dimension_numbers = #tpu.dot_dimension_numbers<[1], [1], [0], [0], [0, 0, 1, 0], [], []>, transpose_lhs_hint = false} : vector<1x128xf32>, vector<25600x128xf32>, vector<1x25600xf32> -> vector<1x25600xf32>
    %get3A_8 = arith.constant 0 : index
    %get3A_9 = vector.load %arg5[%get3A_8] : memref<25600xf32, #tpu.memory_space<vmem>>, vector<25600xf32>
    %reshape3A = vector.shape_cast %get3A_9 : vector<25600xf32> to vector<1x25600xf32>
    %add3A = arith.addf %dot_general3A_7, %reshape3A : vector<1x25600xf32>
    %lt3A = arith.constant 3 : i32
    %lt3A_10 = arith.cmpi slt, %arg0, %lt3A : i32
    %convert_element_type3A_11 = arith.extui %lt3A_10 : i1 to i32
    %cond3A_12 = arith.constant 0 : i32
    %cond3A_13 = arith.cmpi ne, %convert_element_type3A_11, %cond3A_12 : i32
    scf.if %cond3A_13 {
      %mul3A_53 = arith.constant 25600 : i32
      %mul3A_54 = arith.muli %arg0, %mul3A_53 : i32
      %multiple_of3A = tpu.assume_multiple %mul3A_54, 25600 : i32
      %swap3A_55 = arith.constant 0 : index
      %swap3A_56 = arith.index_cast %multiple_of3A : i32 to index
      %swap3A_57 = vector.load %arg6[%swap3A_55, %swap3A_56] : memref<1x100000xf32, #tpu.memory_space<vmem>>, vector<1x25600xf32>
      tpu.vector_store %arg6[%swap3A_55, %swap3A_56], %add3A {strides = array<i32>} : memref<1x100000xf32, #tpu.memory_space<vmem>>, vector<1x25600xf32>,
    } else {
    }
    %eq3A_14 = arith.constant 3 : i32
    %eq3A_15 = arith.cmpi eq, %arg0, %eq3A_14 : i32
    %convert_element_type3A_16 = arith.extui %eq3A_15 : i1 to i32
    %cond3A_17 = arith.constant 0 : i32
    %cond3A_18 = arith.cmpi ne, %convert_element_type3A_16, %cond3A_17 : i32
    scf.if %cond3A_18 {
      %slice3A = vector.extract_strided_slice %add3A {offsets = [0, 0], sizes = [1, 23200], strides = [1, 1]} : vector<1x25600xf32> to vector<1x23200xf32>
      %swap3A_53 = arith.constant 0 : index
      %swap3A_54 = arith.constant 76800 : index
      %swap3A_55 = vector.load %arg6[%swap3A_53, %swap3A_54] : memref<1x100000xf32, #tpu.memory_space<vmem>>, vector<1x23200xf32>
      tpu.vector_store %arg6[%swap3A_53, %swap3A_54], %slice3A {strides = array<i32>} : memref<1x100000xf32, #tpu.memory_space<vmem>>, vector<1x23200xf32>,
    } else {
    }
    %iota3A = tpu.iota {dimensions = array<i32: 1>} : vector<1x25600xi32>
    %mul3A = arith.constant 25600 : i32
    %mul3A_19 = arith.muli %arg0, %mul3A : i32
    %add3A_20 = vector.broadcast %mul3A_19 : i32 to vector<1x25600xi32>
    %add3A_21 = arith.addi %add3A_20, %iota3A : vector<1x25600xi32>
    %lt3A_22 = arith.constant 100000 : i32
    %lt3A_23 = vector.broadcast %lt3A_22 : i32 to vector<1x25600xi32>
    %lt3A_24 = arith.cmpi slt, %add3A_21, %lt3A_23 : vector<1x25600xi32>
    %jit3A = arith.constant 0xFF800000 : f32
    %broadcast_in_dim3A = vector.broadcast %jit3A : f32 to vector<1x25600xf32>
    %select_n3A = arith.select %lt3A_24, %add3A, %broadcast_in_dim3A : vector<1x25600xi1>, vector<1x25600xf32>
    %reduce_max3A = vector.shape_cast %select_n3A : vector<1x25600xf32> to vector<1x1x25600xf32>
    %reduce_max3A_25 = arith.constant dense<0xFF800000> : vector<1xf32>
    %reduce_max3A_26 = vector.multi_reduction <maximumf>, %reduce_max3A, %reduce_max3A_25 [1, 2] : vector<1x1x25600xf32> to vector<1xf32>
    %reduce_max3A_27 = vector.shape_cast %reduce_max3A_26 : vector<1xf32> to vector<1x1x1xf32>
    %reduce_max3A_28 = vector.extract %reduce_max3A_27[0, 0, 0] : f32 from vector<1x1x1xf32>
    %get3A_29 = arith.constant 0 : index
    %get3A_30 = memref.load %arg8[%get3A_29] : memref<1xf32, #tpu.memory_space<smem>>
    %max3A = arith.maximumf %get3A_30, %reduce_max3A_28 : f32
    %get3A_31 = arith.constant 0 : index
    %get3A_32 = memref.load %arg9[%get3A_31] : memref<1xf32, #tpu.memory_space<smem>>
    %sub3A = arith.subf %get3A_30, %max3A : f32
    %exp3A = math.exp %sub3A : f32
    %mul3A_33 = arith.mulf %get3A_32, %exp3A : f32
    %sub3A_34 = vector.broadcast %max3A : f32 to vector<1x25600xf32>
    %sub3A_35 = arith.subf %select_n3A, %sub3A_34 : vector<1x25600xf32>
    %exp3A_36 = math.exp %sub3A_35 : vector<1x25600xf32>
    %jit3A_37 = arith.constant 0.000000e+00 : f32
    %broadcast_in_dim3A_38 = vector.broadcast %jit3A_37 : f32 to vector<1x25600xf32>
    %select_n3A_39 = arith.select %lt3A_24, %exp3A_36, %broadcast_in_dim3A_38 : vector<1x25600xi1>, vector<1x25600xf32>
    %reduce_sum3A = vector.shape_cast %select_n3A_39 : vector<1x25600xf32> to vector<1x1x25600xf32>
    %reduce_sum3A_40 = arith.constant dense<0.000000e+00> : vector<1xf32>
    %reduce_sum3A_41 = vector.multi_reduction <add>, %reduce_sum3A, %reduce_sum3A_40 [1, 2] : vector<1x1x25600xf32> to vector<1xf32>
    %reduce_sum3A_42 = vector.shape_cast %reduce_sum3A_41 : vector<1xf32> to vector<1x1x1xf32>
    %reduce_sum3A_43 = vector.extract %reduce_sum3A_42[0, 0, 0] : f32 from vector<1x1x1xf32>
    %add3A_44 = arith.addf %mul3A_33, %reduce_sum3A_43 : f32
    %swap3A = arith.constant 0 : index
    %swap3A_45 = memref.load %arg9[%swap3A] : memref<1xf32, #tpu.memory_space<smem>>
    memref.store %add3A_44, %arg9[%swap3A] : memref<1xf32, #tpu.memory_space<smem>>
    %swap3A_46 = arith.constant 0 : index
    %swap3A_47 = memref.load %arg8[%swap3A_46] : memref<1xf32, #tpu.memory_space<smem>>
    memref.store %max3A, %arg8[%swap3A_46] : memref<1xf32, #tpu.memory_space<smem>>
    %eq3A_48 = arith.constant 3 : i32
    %eq3A_49 = arith.cmpi eq, %arg0, %eq3A_48 : i32
    %convert_element_type3A_50 = arith.extui %eq3A_49 : i1 to i32
    %cond3A_51 = arith.constant 0 : i32
    %cond3A_52 = arith.cmpi ne, %convert_element_type3A_50, %cond3A_51 : i32
    scf.if %cond3A_52 {
      %get3A_53 = arith.constant 0 : index
      %get3A_54 = memref.load %arg9[%get3A_53] : memref<1xf32, #tpu.memory_space<smem>>
      %log3A = math.log %get3A_54 : f32
      %add3A_55 = arith.addf %max3A, %log3A : f32
      %get3A_56 = arith.constant 0 : index
      %get3A_57 = arith.constant 0 : index
      %get3A_58 = vector.load %arg6[%get3A_56, %get3A_57] : memref<1x100000xf32, #tpu.memory_space<vmem>>, vector<1x100000xf32>
      %sub3A_59 = vector.broadcast %add3A_55 : f32 to vector<1x100000xf32>
      %sub3A_60 = arith.subf %get3A_58, %sub3A_59 : vector<1x100000xf32>
      %swap3A_61 = arith.constant 0 : index
      %swap3A_62 = arith.constant 0 : index
      %swap3A_63 = vector.load %arg6[%swap3A_61, %swap3A_62] : memref<1x100000xf32, #tpu.memory_space<vmem>>, vector<1x100000xf32>
      tpu.vector_store %arg6[%swap3A_61, %swap3A_62], %sub3A_60 {strides = array<i32>} : memref<1x100000xf32, #tpu.memory_space<vmem>>, vector<1x100000xf32>,
    } else {
    }
    return
  }
  func.func @transform_0(%arg0: i32) -> (i32, i32) {
    %c0_i32 = arith.constant 0 : i32
    %c0_i32_0 = arith.constant 0 : i32
    %c0_i32_1 = arith.constant 0 : i32
    return %c0_i32, %c0_i32_0 : i32, i32
  }
  func.func @transform_1(%arg0: i32) -> (i32, i32) {
    %c0_i32 = arith.constant 0 : i32
    %c0_i32_0 = arith.constant 0 : i32
    %c0_i32_1 = arith.constant 0 : i32
    return %c0_i32, %c0_i32_0 : i32, i32
  }
  func.func @transform_2(%arg0: i32) -> i32 {
    %c0_i32 = arith.constant 0 : i32
    %c0_i32_0 = arith.constant 0 : i32
    return %c0_i32 : i32
  }
  func.func @transform_3(%arg0: i32) -> (i32, i32) {
    %c0_i32 = arith.constant 0 : i32
    %c0_i32_0 = arith.constant 0 : i32
    return %arg0, %c0_i32 : i32, i32
  }
  func.func @transform_4(%arg0: i32) -> i32 {
    %c0_i32 = arith.constant 0 : i32
    return %arg0 : i32
  }
  func.func @transform_5(%arg0: i32) -> (i32, i32) {
    %c0_i32 = arith.constant 0 : i32
    %c0_i32_0 = arith.constant 0 : i32
    %c0_i32_1 = arith.constant 0 : i32
    return %c0_i32, %c0_i32_0 : i32, i32
  }
}

</mosaic_0001>

<sc_bundles>
// kernel: kernel.4.cloned.1.call-start
scs
__scs_entry_jumppad:
0x0: {  	(pc) =	sbr.rel $0x88, $3  }
0x1: {  	(tag) =	ssettag $0x0;
	lr =	simm.s32 $0x1  }
0x2: {  	[smem:$0x3F9B] =	sst lr;
	_ =	strace $0xD0000000  }
0x3: {  	_ = 	snop  }
0x4: {  	_ = 	snop  }
0x5: {  	_ = 	snop  }
0x6: {  	_ = 	snop  }
0x7: {  	_ = 	snop  }
__scs_overlays_trampoline_lowered:
0x8: {  	[smem:$0x3FAA] =	sst s0  }
0x9: {  	[smem:$0x3FAB] =	sst s1  }
0xa: {  	[smem:$0x3FAC] =	sst s2  }
0xb: {  	[smem:$0x3FAD] =	sst s3  }
0xc: {  	[smem:$0x3FAE] =	sst s4  }
0xd: {  	[smem:$0x3FAF] =	sst s5  }
0xe: {  	[smem:$0x3FB0] =	sst s6  }
0xf: {  	[smem:$0x3FB1] =	sst s7  }
0x10: {  	[smem:$0x3FB2] =	sst s8  }
0x11: {  	[smem:$0x3FB3] =	sst s9;
	s0 =	simm.s32 @!p0 $0x0  }
0x12: {  	s1 =	sld [smem:$0x3F99];
	s0 =	simm.s32 @p0 $0x1  }
0x13: {  	[smem:$0x3FB4] =	sst s0;
	s0 =	simm.s32 @!p1 $0x0  }
0x14: {  	s2 =	sld [smem:$0x3F98];
	s0 =	simm.s32 @p1 $0x1  }
0x15: {  	[smem:$0x3FB5] =	sst s0;
	s0 =	simm.s32 @!p2 $0x0  }
0x16: {  	s3 =	sld [smem:$0x3FDB];
	s0 =	simm.s32 @p2 $0x1  }
0x17: {  	s4 =	simm.s32 $0x1BF5;
	[smem:$0x3FB7] =	sst s0  }
0x18: {  	s0 =	sld [smem:$0x3F9A];
	_ =	swait.ge [sflag:s4], $0x0  }
0x19: {  	s7 =	sld [smem:$0x3F9B]  }
0x1a: {  	s8 =	sadd.s32 $0xFFFFE003, lr  }
0x1b: {  	s9 =	sadd.s32 $0xFFFFFEF7, lr;
	s5 =	simm.s32 $0xFFFFFFFF;
	p2 =	slt.u32 s8, $0xFFFFF086  }
0x1c: {  	p1 =	slt.u32 s9, $0xF7A;
	s5 =	simm.s32 @!p2 $0x0  }
0x1d: {  	s5 =	simm.s32 @p1 $0x1;
	p0 =	seq.s32 s7, s2  }
0x1e: {  	s7 =	smul.u32 @!p0 $0xF7A, s2;
	p2 =	seq.s32 @!p0 s5, $0x0  }
0x1f: {  	s9 =	smul.u32 $0xF7A, s1;
	s8 =	simm.s32 @!p0 $0x1BF5;
	p2 =	por !p2, p0  }
0x20: {  	[sflag:s8] =	ssyncset.s32 @!p0 $0xFFFFF086;
	s6 =	sadd.s32 @!p0 s3, s7;
	s7 =	simm.s32 @!p0 $0x108  }
0x21: {  	s3 =	sadd.s32 s3, s9;
	s6 =	sadd.s32 @!p0 $0x88, s6;
	s7 =	simm.s32 @p2 $0x1082  }
0x22: {  	[simem:s7], [sflag:s8] =	dma.local @!p0 [hbm:s6], $0xF7A  }
0x23: {  	s9 =	sor.u32 $0xD0000000, s2;
	s6 =	simm.s32 $0x108;
	_ =	swait.ge @!p0 [sflag:s8], $0x0  }
0x24: {  	s3 =	sadd.s32 $0x88, s3;
	s6 =	simm.s32 @!p1 $0x1082;
	[sflag:s4] =	ssyncset.s32 $0xFFFFF086  }
0x25: {  	[simem:s6], [sflag:s4] =	dma.local [hbm:s3], $0xF7A  }
0x26: {  	[smem:$0x3F9B] =	sst s1;
	(tag) =	ssettag s2;
	_ =	strace s9  }
0x27: {  	s1 =	sld [smem:$0x3FAB]  }
0x28: {  	s2 =	sld [smem:$0x3FAC]  }
0x29: {  	s4 =	sld [smem:$0x3FAE]  }
0x2a: {  	p0 =	seq.s32 s5, $0x0;
	s5 =	sld [smem:$0x3FAF]  }
0x2b: {  	s6 =	sld [smem:$0x3FB0]  }
0x2c: {  	s7 =	sld [smem:$0x3FB1]  }
0x2d: {  	s3 =	simm.s32 $0x108;
	s8 =	sld [smem:$0x3FB2]  }
0x2e: {  	s3 =	simm.s32 @!p0 $0x1082;
	s9 =	sld [smem:$0x3FB3]  }
0x2f: {  	lr =	sadd.s32 s0, s3;
	s0 =	sld [smem:$0x3FAA]  }
0x30: {  	s3 =	sld [smem:$0x3FAD]  }
0x31: {  	[smem:$0x3FB6] =	sst s10  }
0x32: {  	s10 =	sld [smem:$0x3FB4];
	_ =	sdelay $0x3  }
0x33: {  	p0 =	seq.s32 s10, $0x1;
	s10 =	sld [smem:$0x3FB6];
	_ =	sdelay $0x3  }
0x34: {  	[smem:$0x3FB6] =	sst s10  }
0x35: {  	s10 =	sld [smem:$0x3FB5];
	_ =	sdelay $0x3  }
0x36: {  	p1 =	seq.s32 s10, $0x1;
	s10 =	sld [smem:$0x3FB6];
	_ =	sdelay $0x3  }
0x37: {  	[smem:$0x3FB6] =	sst s10  }
0x38: {  	s10 =	sld [smem:$0x3FB7]  }
0x39: {  	_ = 	snop;
	(pc) =	sbr.ind lr, $3  }
0x3a: {  	_ = 	snop  }
0x3b: {  	_ = 	snop  }
0x3c: {  	p2 =	seq.s32 s10, $0x1;
	s10 =	sld [smem:$0x3FB6]  }
0x3d: {  	_ =	shalt  }
0x3e: {  	_ =	shalt  }
0x3f: {  	_ =	shalt  }
0x40: {  	_ =	shalt  }
0x41: {  	_ =	shalt  }
0x42: {  	_ =	shalt  }
0x43: {  	_ =	shalt  }
0x44: {  	_ =	shalt  }
0x45: {  	_ =	shalt  }
0x46: {  	_ =	shalt  }
0x47: {  	_ =	shalt  }
0x48: {  	_ =	shalt  }
0x49: {  	_ =	shalt  }
0x4a: {  	_ =	shalt  }
0x4b: {  	_ =	shalt  }
0x4c: {  	_ =	shalt  }
0x4d: {  	_ =	shalt  }
0x4e: {  	_ =	shalt  }
0x4f: {  	_ =	shalt  }
0x50: {  	_ =	shalt  }
0x51: {  	_ =	shalt  }
0x52: {  	_ =	shalt  }
0x53: {  	_ =	shalt  }
0x54: {  	_ =	shalt  }
0x55: {  	_ =	shalt  }
0x56: {  	_ =	shalt  }
0x57: {  	_ =	shalt  }
0x58: {  	_ =	shalt  }
0x59: {  	_ =	shalt  }
0x5a: {  	_ =	shalt  }
0x5b: {  	_ =	shalt  }
0x5c: {  	_ =	shalt  }
0x5d: {  	_ =	shalt  }
0x5e: {  	_ =	shalt  }
0x5f: {  	_ =	shalt  }
0x60: {  	_ =	shalt  }
0x61: {  	_ =	shalt  }
0x62: {  	_ =	shalt  }
0x63: {  	_ =	shalt  }
0x64: {  	_ =	shalt  }
0x65: {  	_ =	shalt  }
0x66: {  	_ =	shalt  }
0x67: {  	_ =	shalt  }
0x68: {  	_ =	shalt  }
0x69: {  	_ =	shalt  }
0x6a: {  	_ =	shalt  }
0x6b: {  	_ =	shalt  }
0x6c: {  	_ =	shalt  }
0x6d: {  	_ =	shalt  }
0x6e: {  	_ =	shalt  }
0x6f: {  	_ =	shalt  }
0x70: {  	_ =	shalt  }
0x71: {  	_ =	shalt  }
0x72: {  	_ =	shalt  }
0x73: {  	_ =	shalt  }
0x74: {  	_ =	shalt  }
0x75: {  	_ =	shalt  }
0x76: {  	_ =	shalt  }
0x77: {  	_ =	shalt  }
0x78: {  	_ =	shalt  }
0x79: {  	_ =	shalt  }
0x7a: {  	_ =	shalt  }
0x7b: {  	_ =	shalt  }
0x7c: {  	_ =	shalt  }
0x7d: {  	_ =	shalt  }
0x7e: {  	_ =	shalt  }
0x7f: {  	_ =	shalt  }
0x80: {  	_ =	shalt  }
0x81: {  	_ =	shalt  }
0x82: {  	_ =	shalt  }
0x83: {  	_ =	shalt  }
0x84: {  	_ =	shalt  }
0x85: {  	_ =	shalt  }
0x86: {  	_ =	shalt  }
0x87: {  	_ =	shalt  }
.Lfunc_end0:
.L_simem_size_0:
called_computation_lowered:
.L_overlay_start_0:
0x88: {  	s0 =	sld [smem:$0x3FD9]  }
0x89: {  	s1 =	sld [smem:$0x3FFE];
	_ =	sdelay $0x3  }
0x8a: {  	s0 =	sadd.s32 s1, s0  }
0x8b: {  	[smem:$0x3FC2] =	sst s0  }
0x8c: {  	_ = 	snop  }
0x8d: {  	s0 =	sld [smem:$0x3FC9]  }
0x8e: {  	s17 =	sld [smem:$0x3FC8]  }
0x8f: {  	s2 =	sld [smem:$0x3FD0];
	(tm) =	ssettm $0x1  }
0x90: {  	s3 =	sld [smem:$0x3FFB];
	_ =	sdelay $0x3  }
0x91: {  	_ =	strace s3  }
0x92: {  	s3 =	sld [smem:$0x3FFC];
	_ =	sdelay $0x3  }
0x93: {  	_ =	strace s3  }
0x94: {  	s3 =	sld [smem:$0x3FFD];
	_ =	sdelay $0x3  }
0x95: {  	_ =	strace s3  }
0x96: {  	_ =	strace $0x8FFFFFFF  }
0x97: {  	s18 =	sld [smem:$0x3FDB];
	_ =	sdelay $0x1  }
0x98: {  	s4 =	simm.s32 $_scs_section_size  }
0x99: {  	s5 =	simm.s32 $_size__tile_overlayer_lowered;
	s6 =	simm.s32 $_tile_overlayer_lowered  }
0x9a: {  	s21 =	simm.s32 $0x1BFF;
	s20 =	sshll.u32 s6, $0x1;
	s3 =	sadd.s32 s4, s18  }
0x9b: {  	s7 =	simm.s32 $0x0;
	s19 =	sshll.u32 s5, $0x1;
	s5 =	sadd.s32 s20, s3  }
0x9c: {  	[timem:s7], [sflag:s21] =	dma.local [hbm:s5], s19  }
0x9d: {  	_ =	swait.ge [sflag:s21], s19  }
0x9e: {  	s4 =	ssub.s32 $0x0, s19;
	[sflag:s21] =	ssyncset.done $0x0  }
0x9f: {  	[sflag:s21] =	ssyncadd.s32 s4;
	_ =	sdelay $0x1  }
0xa0: {  	s22 =	simm.s32 $0x1B8B  }
0xa1: {  	_ =	swait.ge [sflag:s22], $0x1  }
0xa2: {  	[sflag:s22] =	ssyncset.done $0x0  }
0xa3: {  	s23 =	simm.s32 $0x1B8E;
	[sflag:s22] =	ssyncadd.s32 $0xFFFFFFFF  }
0xa4: {  	s24 =	simm.s32 $execute0_lowered;
	[smem:$0x3FD2] =	sst s23  }
0xa5: {  	s4 =	sshll.u32 s24, $0x1;
	_ =	strace $0x80000046;
	[dreg:$0x1] =	wrdreg $0xFFFFFFFF  }
0xa6: {  	s25 =	simm.s32 $_size_execute0_lowered;
	s3 =	sadd.s32 s3, s4;
	[dreg:$0x0] =	wrdreg $0x0  }
0xa7: {  	s4 =	sshll.u32 s25, $0x1;
	[dreg:$0x2] =	wrdreg s3  }
0xa8: {  	[dreg:$0x3] =	wrdreg s4  }
0xa9: {  	[dreg:$0x4] =	wrdreg $0xC0  }
0xaa: {  	_ =	task [dreg:s7], $0x5FFFF  }
0xab: {  	[dreg:$0x1] =	wrdreg $0xFFFFFFFF  }
0xac: {  	[dreg:$0x0] =	wrdreg $0x60  }
0xad: {  	[dreg:$0x2] =	wrdreg s0  }
0xae: {  	[dreg:$0x3] =	wrdreg s17  }
0xaf: {  	[dreg:$0x4] =	wrdreg s2  }
0xb0: {  	[dreg:$0x5] =	wrdreg $0x9  }
0xb1: {  	_ =	task.clear_ibuf [dreg:s7], $0x6FFFF;
	_ =	strace $0x90000046  }
0xb2: {  	s26 =	simm.s32 $0x9;
	_ =	strace $0x80000048  }
0xb3: {  	_ =	swait.ge [sflag:s26], $0x1  }
0xb4: {  	[sflag:s26] =	ssyncadd.s32 $0xFFFFFFFF  }
0xb5: {  	_ =	strace $0x90000048  }
0xb6: {  	_ =	sfence  }
0xb7: {  	s28 =	sld [smem:$0x0];
	_ =	sdelay $0x1  }
0xb8: {  	s29 =	srdreg.scid  }
0xb9: {  	s30 =	sshll.u32 s29, $0xD;
	s31 =	sshrl.u32 s29, $0x2  }
0xba: {  	s1 =	sand.u32 $0x1, s29;
	s2 =	sand.u32 $0x4000, s30;
	s0 =	sadd.s32 s31, s28  }
0xbb: {  	s1 =	sor.u32 s2, s1;
	s0 =	sshll.u32 s0, $0x11  }
0xbc: {  	s0 =	sor.u32 s0, s1  }
0xbd: {  	s0 =	sadd.s32 $0x8F2B, s0  }
0xbe: {  	[sflag:s0] =	ssyncadd.remote.s32 $0x1  }
0xbf: {  	_ =	sfence.sel $0xFFFF  }
0xc0: {  	[dreg:$0x0] =	wrdreg $0xFFFFFFFF;
	(pc) =	sbr.abs _section_cstart, $3  }
0xc1: {  	[dreg:$0x1] =	wrdreg $0xFFFFFFFF  }
0xc2: {  	_ =	task.clear_ibuf [dreg:s7], $0x2FFFF;
	_ =	strace $0x9FFFFFFF  }
0xc3: {  	(tm) =	ssettm $0x7FFFFFFF  }
tec
execute0_lowered:
.L_overlay_start_1:
0x0: {  	(tag) =	ssettag $0x1  }
0x1: {  	s1 =	stileid.u32  }
0x2: {  	p0 =	sgt.u32 s1, $0xB  }
.Ltmp0:
0x3: {  	s4 =	rddreg [dreg:$0x0];
	(pc) =	sbr.rel @p0 .LBB2_2-.Ltmp0, $4  }
0x4: {  	s3 =	rddreg [dreg:$0x1]  }
0x5: {  	s2 =	rddreg [dreg:$0x2];
	s5 =	simm.s32 $0x0  }
0x6: {  	[smem:$0x7FF] =	sst s5  }
0x7: {  	s0 =	rddreg [dreg:$0x3];
	_ =	strace $0x80000047  }
0x8: {  	s6 =	sshll.u32 s1, $0x1  }
0x9: {  	s28 =	simm.s32 $0x2;
	s4 =	sadd.s32 s4, s6  }
0xa: {  	[tilespmem:s5], [sflag:$0x2] =	stream.linear.gather [hbm4b:s4+s5], $0x10, $0x38;
	[tilespmem:$0x900] =	vst v63  }
0xb: {  	_ =	swait.ge [sflag:s28], $0x10  }
0xc: {  	s29 =	simm.s32 $0x10;
	[sflag:s28] =	ssyncset.done $0x0  }
0xd: {  	s30 =	simm.s32 $0x80;
	s31 =	simm.s32 $0x1;
	[sflag:s28] =	ssyncadd.s32 $0xFFFFFFF0  }
0xe: {  	[tilespmem:s30], [sflag:$0x1] =	stream.indirect.gather [hbm4b:s3+s29], $0x80, s5, s29, $0xb8;
	[tilespmem:$0x900] =	vst v63  }
0xf: {  	_ =	swait.ge [sflag:s31], $0x800  }
0x10: {  	[sflag:s31] =	ssyncset.done $0x0  }
0x11: {  	[sflag:s31] =	ssyncadd.s32 $0xFFFFF800  }
0x12: {  	v0 =	vld [tilespmem:$0x80]  }
0x13: {  	v1 =	vld [tilespmem:$0x100]  }
0x14: {  	v2 =	vld [tilespmem:$0x180]  }
0x15: {  	v3 =	vld [tilespmem:$0x200]  }
0x16: {  	v8 =	vld [tilespmem:$0x280]  }
0x17: {  	v9 =	vld [tilespmem:$0x300]  }
0x18: {  	v10 =	vld [tilespmem:$0x380]  }
0x19: {  	v11 =	vld [tilespmem:$0x400]  }
0x1a: {  	v13 =	vld [tilespmem:$0x480]  }
0x1b: {  	v15 =	vld [tilespmem:$0x500]  }
0x1c: {  	v17 =	vld [tilespmem:$0x580]  }
0x1d: {  	v30 =	vld [tilespmem:$0x600]  }
0x1e: {  	v4 =	vld [tilespmem:$0x680]  }
0x1f: {  	v62 =	vld [tilespmem:$0x700]  }
0x20: {  	v63 =	vld [tilespmem:$0x780]  }
0x21: {  	v12 =	vld [tilespmem:$0x800]  }
0x22: {  	v5 =	vld [tilespmem:$0x90]  }
0x23: {  	v7 =	vld [tilespmem:$0x110]  }
0x24: {  	v18 =	vld [tilespmem:$0x190]  }
0x25: {  	v19 =	vld [tilespmem:$0x210]  }
0x26: {  	v20 =	vld [tilespmem:$0x290]  }
0x27: {  	v21 =	vld [tilespmem:$0x310]  }
0x28: {  	v22 =	vld [tilespmem:$0x390]  }
0x29: {  	v23 =	vld [tilespmem:$0x410]  }
0x2a: {  	v24 =	vld [tilespmem:$0x490]  }
0x2b: {  	v25 =	vld [tilespmem:$0x510]  }
0x2c: {  	v26 =	vld [tilespmem:$0x590]  }
0x2d: {  	v27 =	vld [tilespmem:$0x610]  }
0x2e: {  	v28 =	vld [tilespmem:$0x690]  }
0x2f: {  	v14 =	vld [tilespmem:$0x710]  }
0x30: {  	v16 =	vld [tilespmem:$0x790]  }
0x31: {  	v29 =	vld [tilespmem:$0x810]  }
0x32: {  	v32 =	vld [tilespmem:$0xA0]  }
0x33: {  	v33 =	vld [tilespmem:$0x120]  }
0x34: {  	v34 =	vld [tilespmem:$0x1A0]  }
0x35: {  	v35 =	vld [tilespmem:$0x220]  }
0x36: {  	v36 =	vld [tilespmem:$0x2A0]  }
0x37: {  	v37 =	vld [tilespmem:$0x320]  }
0x38: {  	v38 =	vld [tilespmem:$0x3A0]  }
0x39: {  	v39 =	vld [tilespmem:$0x420]  }
0x3a: {  	v40 =	vld [tilespmem:$0x4A0]  }
0x3b: {  	v41 =	vld [tilespmem:$0x520]  }
0x3c: {  	v42 =	vld [tilespmem:$0x5A0]  }
0x3d: {  	v43 =	vld [tilespmem:$0x620]  }
0x3e: {  	v44 =	vld [tilespmem:$0x6A0]  }
0x3f: {  	v45 =	vld [tilespmem:$0x720]  }
0x40: {  	v46 =	vld [tilespmem:$0x7A0]  }
0x41: {  	v47 =	vld [tilespmem:$0x820]  }
0x42: {  	v48 =	vld [tilespmem:$0xB0]  }
0x43: {  	v49 =	vld [tilespmem:$0x130]  }
0x44: {  	v50 =	vld [tilespmem:$0x1B0]  }
0x45: {  	v51 =	vld [tilespmem:$0x230]  }
0x46: {  	v52 =	vld [tilespmem:$0x2B0]  }
0x47: {  	v53 =	vld [tilespmem:$0x330]  }
0x48: {  	v54 =	vld [tilespmem:$0x3B0]  }
0x49: {  	v55 =	vld [tilespmem:$0x430]  }
0x4a: {  	v56 =	vld [tilespmem:$0x4B0]  }
0x4b: {  	v57 =	vld [tilespmem:$0x530]  }
0x4c: {  	v58 =	vld [tilespmem:$0x5B0]  }
0x4d: {  	v59 =	vld [tilespmem:$0x630]  }
0x4e: {  	v60 =	vld [tilespmem:$0x6B0]  }
0x4f: {  	v61 =	vld [tilespmem:$0x730]  }
0x50: {  	v6 =	vld [tilespmem:$0xC0]  }
0x51: {  	v31 =	vld [tilespmem:$0x440]  }
0x52: {  	[tilespmem:$0x1FF90] =	vst v62;
	v62 =	vld [tilespmem:$0x7B0]  }
0x53: {  	[tilespmem:$0x1FFA0] =	vst v63;
	v63 =	vld [tilespmem:$0x830]  }
0x54: {  	[tilespmem:$0x1FF80] =	vst v4;
	v4 =	vld [tilespmem:$0x140]  }
0x55: {  	[tilespmem:$0x1FFC0] =	vst v12;
	v12 =	vld [tilespmem:$0x1C0]  }
0x56: {  	[tilespmem:$0x1FFB0] =	vst v14;
	v14 =	vld [tilespmem:$0x240]  }
0x57: {  	[tilespmem:$0x1FFD0] =	vst v16;
	v16 =	vld [tilespmem:$0x2C0]  }
0x58: {  	[tilespmem:$0x1FFE0] =	vst v29;
	v29 =	vld [tilespmem:$0x340]  }
0x59: {  	v0 =	vadd.f32 v1, v0;
	v1 =	vld [tilespmem:$0x3C0]  }
0x5a: {  	v32 =	vadd.f32 v33, v32;
	v33 =	vld [tilespmem:$0x540]  }
0x5b: {  	v0 =	vadd.f32 v2, v0;
	v2 =	vadd.f32 v7, v5;
	v5 =	vld [tilespmem:$0x4C0]  }
0x5c: {  	v7 =	vld [tilespmem:$0x5C0]  }
0x5d: {  	[tilespmem:$0x1FFF0] =	vst v31;
	v31 =	vadd.f32 v49, v48;
	v32 =	vadd.f32 v34, v32;
	v34 =	vld [tilespmem:$0x750]  }
0x5e: {  	v2 =	vadd.f32 v18, v2;
	v18 =	vld [tilespmem:$0x640]  }
0x5f: {  	v50 =	vadd.f32 v50, v31;
	v0 =	vadd.f32 v3, v0;
	v3 =	vld [tilespmem:$0x6C0]  }
0x60: {  	v49 =	vadd.f32 v35, v32;
	v35 =	vld [tilespmem:$0x850]  }
0x61: {  	v32 =	vadd.f32 v51, v50;
	v50 =	vld [tilespmem:$0x1FFA0]  }
0x62: {  	v51 =	vld [tilespmem:$0x1FFB0]  }
0x63: {  	v48 =	vadd.f32 v19, v2;
	v2 =	vld [tilespmem:$0x740]  }
0x64: {  	v0 =	vadd.f32 v8, v0;
	v8 =	vld [tilespmem:$0x7C0]  }
0x65: {  	v19 =	vadd.f32 v36, v49;
	v49 =	vld [tilespmem:$0x1FF90]  }
0x66: {  	v9 =	vadd.f32 v9, v0;
	v0 =	vld [tilespmem:$0x840]  }
0x67: {  	v19 =	vadd.f32 v37, v19;
	v37 =	vadd.f32 v52, v32;
	v32 =	vld [tilespmem:$0x150]  }
0x68: {  	v20 =	vadd.f32 v20, v48;
	v48 =	vld [tilespmem:$0x1FF80]  }
0x69: {  	v4 =	vadd.f32 v4, v6;
	v52 =	vld [tilespmem:$0xE0]  }
0x6a: {  	v9 =	vadd.f32 v10, v9;
	v36 =	vadd.f32 v21, v20;
	v20 =	vld [tilespmem:$0xD0]  }
0x6b: {  	v21 =	vadd.f32 v53, v37;
	v53 =	vld [tilespmem:$0x160]  }
0x6c: {  	v4 =	vadd.f32 v12, v4;
	v9 =	vadd.f32 v11, v9;
	v11 =	vld [tilespmem:$0x1D0]  }
0x6d: {  	v10 =	vadd.f32 v22, v36;
	v22 =	vld [tilespmem:$0x250]  }
0x6e: {  	v4 =	vadd.f32 v14, v4;
	v21 =	vadd.f32 v54, v21;
	v54 =	vld [tilespmem:$0x1FFC0]  }
0x6f: {  	v19 =	vadd.f32 v38, v19;
	v36 =	vld [tilespmem:$0x270]  }
0x70: {  	v4 =	vadd.f32 v16, v4;
	v9 =	vadd.f32 v13, v9;
	v13 =	vld [tilespmem:$0x2D0]  }
0x71: {  	v19 =	vadd.f32 v39, v19;
	v10 =	vadd.f32 v23, v10;
	v23 =	vld [tilespmem:$0x350]  }
0x72: {  	v4 =	vadd.f32 v29, v4;
	v21 =	vadd.f32 v55, v21;
	v55 =	vld [tilespmem:$0x1FFD0]  }
0x73: {  	v19 =	vadd.f32 v40, v19;
	v40 =	vld [tilespmem:$0x360];
	v31 =	vadd.f32 v53, v52  }
0x74: {  	v1 =	vadd.f32 v1, v4;
	v52 =	vld [tilespmem:$0x5E0];
	v21 =	vadd.f32 v56, v21  }
0x75: {  	v53 =	vld [tilespmem:$0x570];
	v9 =	vadd.f32 v15, v9;
	v10 =	vadd.f32 v24, v10  }
0x76: {  	v19 =	vadd.f32 v41, v19;
	v56 =	vld [tilespmem:$0x1E0];
	v21 =	vadd.f32 v57, v21  }
0x77: {  	v15 =	vld [tilespmem:$0x3D0];
	v9 =	vadd.f32 v17, v9;
	v10 =	vadd.f32 v25, v10  }
0x78: {  	v24 =	vld [tilespmem:$0x450];
	v19 =	vadd.f32 v42, v19;
	v21 =	vadd.f32 v58, v21  }
0x79: {  	v41 =	vld [tilespmem:$0x2F0];
	v9 =	vadd.f32 v30, v9;
	v10 =	vadd.f32 v26, v10  }
0x7a: {  	v17 =	vld [tilespmem:$0x4D0];
	v19 =	vadd.f32 v43, v19;
	v21 =	vadd.f32 v59, v21  }
0x7b: {  	v25 =	vld [tilespmem:$0x550];
	v37 =	vadd.f32 v56, v31;
	v9 =	vadd.f32 v48, v9  }
0x7c: {  	v57 =	vld [tilespmem:$0xF0];
	v10 =	vadd.f32 v27, v10;
	v21 =	vadd.f32 v60, v21  }
0x7d: {  	v19 =	vadd.f32 v44, v19;
	v59 =	vld [tilespmem:$0x170];
	v9 =	vadd.f32 v49, v9  }
0x7e: {  	v48 =	vld [tilespmem:$0x1FFF0];
	v10 =	vadd.f32 v28, v10;
	v21 =	vadd.f32 v61, v21  }
0x7f: {  	v19 =	vadd.f32 v45, v19;
	v60 =	vld [tilespmem:$0x260];
	v9 =	vadd.f32 v50, v9  }
0x80: {  	v61 =	vadd.f32 v32, v20;
	v21 =	vadd.f32 v62, v21;
	v62 =	vld [tilespmem:$0x1F0]  }
0x81: {  	v42 =	vld [tilespmem:$0x3E0];
	v10 =	vadd.f32 v51, v10;
	v19 =	vadd.f32 v46, v19  }
0x82: {  	v11 =	vadd.f32 v11, v61;
	v21 =	vadd.f32 v63, v21;
	v63 =	vld [tilespmem:$0x2E0]  }
0x83: {  	v26 =	vld [tilespmem:$0x5D0];
	v6 =	vadd.f32 v59, v57;
	v1 =	vadd.f32 v48, v1  }
0x84: {  	v30 =	vld [tilespmem:$0x650];
	v9 =	vadd.f32 v54, v9;
	v11 =	vadd.f32 v22, v11  }
0x85: {  	v58 =	vld [tilespmem:$0x1FFE0];
	v14 =	vadd.f32 v60, v37;
	v6 =	vadd.f32 v62, v6  }
0x86: {  	v43 =	vld [tilespmem:$0x370];
	v10 =	vadd.f32 v55, v10;
	v11 =	vadd.f32 v13, v11  }
0x87: {  	v44 =	vld [tilespmem:$0x460];
	v14 =	vadd.f32 v63, v14;
	v6 =	vadd.f32 v36, v6  }
0x88: {  	v46 =	vld [tilespmem:$0x3F0];
	v19 =	vadd.f32 v47, v19;
	v45 =	vadd.f32 v23, v11  }
0x89: {  	v49 =	vld [tilespmem:$0x470];
	v14 =	vadd.f32 v40, v14;
	v6 =	vadd.f32 v41, v6  }
0x8a: {  	v47 =	vld [tilespmem:$0x4E0];
	v1 =	vadd.f32 v5, v1;
	v4 =	vadd.f32 v15, v45  }
0x8b: {  	v50 =	vld [tilespmem:$0x560];
	v14 =	vadd.f32 v42, v14;
	v6 =	vadd.f32 v43, v6  }
0x8c: {  	v51 =	vld [tilespmem:$0x4F0];
	v10 =	vadd.f32 v58, v10;
	v4 =	vadd.f32 v24, v4  }
0x8d: {  	v56 =	vld [tilespmem:$0x6E0];
	v12 =	vadd.f32 v44, v14;
	v6 =	vadd.f32 v46, v6  }
0x8e: {  	v27 =	vld [tilespmem:$0x6D0];
	v1 =	vadd.f32 v33, v1;
	v4 =	vadd.f32 v17, v4  }
0x8f: {  	v54 =	vld [tilespmem:$0x660];
	v12 =	vadd.f32 v47, v12;
	v6 =	vadd.f32 v49, v6  }
0x90: {  	v55 =	vld [tilespmem:$0x5F0];
	v1 =	vadd.f32 v7, v1;
	v4 =	vadd.f32 v25, v4  }
0x91: {  	v28 =	vld [tilespmem:$0x7D0];
	v12 =	vadd.f32 v50, v12;
	v5 =	vadd.f32 v51, v6  }
0x92: {  	v57 =	vld [tilespmem:$0x670];
	v1 =	vadd.f32 v18, v1;
	v4 =	vadd.f32 v26, v4  }
0x93: {  	v59 =	vld [tilespmem:$0x6F0];
	v11 =	vadd.f32 v52, v12;
	v5 =	vadd.f32 v53, v5  }
0x94: {  	v58 =	vld [tilespmem:$0x760];
	v1 =	vadd.f32 v3, v1;
	v3 =	vadd.f32 v30, v4  }
0x95: {  	v60 =	vld [tilespmem:$0x7E0];
	v11 =	vadd.f32 v54, v11;
	v5 =	vadd.f32 v55, v5  }
0x96: {  	v1 =	vadd.f32 v2, v1;
	v2 =	vadd.f32 v27, v3;
	v3 =	vld [tilespmem:$0x770]  }
0x97: {  	v61 =	vld [tilespmem:$0x860];
	v6 =	vadd.f32 v56, v11;
	v5 =	vadd.f32 v57, v5  }
0x98: {  	v62 =	vld [tilespmem:$0x7F0];
	v1 =	vadd.f32 v8, v1;
	v2 =	vadd.f32 v34, v2  }
0x99: {  	[tilespmem:$0x880] =	vst v9;
	v6 =	vadd.f32 v58, v6;
	v4 =	vadd.f32 v59, v5  }
0x9a: {  	[tilespmem:$0x8A0] =	vst v19;
	v0 =	vadd.f32 v0, v1;
	v1 =	vadd.f32 v28, v2;
	v2 =	vld [tilespmem:$0x870]  }
.Ltmp1:
0x9b: {  	[tilespmem:$0x890] =	vst v10;
	v63 =	vadd.f32 v60, v6;
	v3 =	vadd.f32 v3, v4;
	(pc) =	sbr.rel .LBB2_4-.Ltmp1, $4  }
0x9c: {  	[tilespmem:$0x8B0] =	vst v21;
	v1 =	vadd.f32 v35, v1  }
0x9d: {  	[tilespmem:$0x8C0] =	vst v0;
	v0 =	vadd.f32 v61, v63;
	v3 =	vadd.f32 v62, v3  }
0x9e: {  	[tilespmem:$0x8D0] =	vst v1  }
0x9f: {  	[tilespmem:$0x8E0] =	vst v0;
	v0 =	vadd.f32 v2, v3  }
.LBB2_2:
0xa0: {  	p0 =	sne.s32 s1, $0xC  }
.Ltmp2:
0xa1: {  	_ = 	snop;
	(pc) =	sbr.rel @p0 .LBB2_5-.Ltmp2, $1  }
0xa2: {  	_ =	sdelay $0x3  }
0xa3: {  	s4 =	sadd.s32 $0x18, s4;
	s5 =	simm.s32 $0x0;
	s29 =	simm.s32 $0x2  }
0xa4: {  	[tilespmem:s5], [sflag:$0x2] =	stream.linear.gather [hbm4b:s4+s5], $0x8, $0x38;
	[tilespmem:$0x900] =	vst v63  }
0xa5: {  	_ =	swait.ge [sflag:s29], $0x8  }
0xa6: {  	s30 =	simm.s32 $0x8;
	[sflag:s29] =	ssyncset.done $0x0  }
0xa7: {  	s6 =	simm.s32 $0x80;
	s31 =	simm.s32 $0x1;
	[sflag:s29] =	ssyncadd.s32 $0xFFFFFFF8  }
0xa8: {  	[tilespmem:s6], [sflag:$0x1] =	stream.indirect.gather [hbm4b:s3+s30], $0x80, s5, s30, $0xb8;
	[tilespmem:$0x900] =	vst v63  }
0xa9: {  	_ =	swait.ge [sflag:s31], $0x400  }
0xaa: {  	[sflag:s31] =	ssyncset.done $0x0  }
0xab: {  	[sflag:s31] =	ssyncadd.s32 $0xFFFFFC00  }
0xac: {  	v0 =	vld [tilespmem:$0x80]  }
0xad: {  	v1 =	vld [tilespmem:$0x100]  }
0xae: {  	v2 =	vld [tilespmem:$0x180]  }
0xaf: {  	v3 =	vld [tilespmem:$0x200]  }
0xb0: {  	v4 =	vld [tilespmem:$0x280]  }
0xb1: {  	v5 =	vld [tilespmem:$0x300]  }
0xb2: {  	v6 =	vld [tilespmem:$0x380]  }
0xb3: {  	v7 =	vld [tilespmem:$0x400]  }
0xb4: {  	v8 =	vld [tilespmem:$0x90]  }
0xb5: {  	v9 =	vld [tilespmem:$0x110]  }
0xb6: {  	v10 =	vld [tilespmem:$0x190]  }
0xb7: {  	v11 =	vld [tilespmem:$0x210]  }
0xb8: {  	v12 =	vld [tilespmem:$0x290]  }
0xb9: {  	v13 =	vld [tilespmem:$0x310]  }
0xba: {  	v14 =	vld [tilespmem:$0x390]  }
0xbb: {  	v15 =	vld [tilespmem:$0x410]  }
0xbc: {  	v16 =	vld [tilespmem:$0xA0]  }
0xbd: {  	v17 =	vld [tilespmem:$0x120]  }
0xbe: {  	v18 =	vld [tilespmem:$0x1A0]  }
0xbf: {  	v19 =	vld [tilespmem:$0x220]  }
0xc0: {  	v20 =	vld [tilespmem:$0x2A0]  }
0xc1: {  	v21 =	vld [tilespmem:$0x320]  }
0xc2: {  	v22 =	vld [tilespmem:$0x3A0]  }
0xc3: {  	v23 =	vld [tilespmem:$0x420]  }
0xc4: {  	v24 =	vld [tilespmem:$0xB0]  }
0xc5: {  	v25 =	vld [tilespmem:$0x130]  }
0xc6: {  	v26 =	vld [tilespmem:$0x1B0]  }
0xc7: {  	v27 =	vld [tilespmem:$0x230]  }
0xc8: {  	v28 =	vld [tilespmem:$0x2B0]  }
0xc9: {  	v29 =	vld [tilespmem:$0x330]  }
0xca: {  	v30 =	vld [tilespmem:$0x3B0]  }
0xcb: {  	v31 =	vld [tilespmem:$0x430]  }
0xcc: {  	v32 =	vld [tilespmem:$0xC0]  }
0xcd: {  	v33 =	vld [tilespmem:$0x140]  }
0xce: {  	v34 =	vld [tilespmem:$0x1C0]  }
0xcf: {  	v35 =	vld [tilespmem:$0x240]  }
0xd0: {  	v49 =	vld [tilespmem:$0xF0]  }
0xd1: {  	v51 =	vld [tilespmem:$0x170]  }
0xd2: {  	v62 =	vld [tilespmem:$0xD0]  }
0xd3: {  	v39 =	vld [tilespmem:$0x150]  }
0xd4: {  	v36 =	vld [tilespmem:$0x2C0];
	v0 =	vadd.f32 v1, v0;
	v63 =	vadd.f32 v17, v16  }
0xd5: {  	v37 =	vld [tilespmem:$0x340];
	v40 =	vadd.f32 v25, v24;
	v50 =	vadd.f32 v33, v32  }
0xd6: {  	v38 =	vld [tilespmem:$0x440];
	v56 =	vadd.f32 v51, v49;
	v0 =	vadd.f32 v2, v0  }
0xd7: {  	v41 =	vld [tilespmem:$0x250];
	v2 =	vadd.f32 v9, v8;
	v9 =	vadd.f32 v18, v63  }
0xd8: {  	v42 =	vld [tilespmem:$0x2D0];
	v8 =	vadd.f32 v39, v62;
	v0 =	vadd.f32 v3, v0  }
0xd9: {  	v2 =	vadd.f32 v10, v2;
	v3 =	vld [tilespmem:$0x1D0];
	v9 =	vadd.f32 v19, v9  }
0xda: {  	v43 =	vld [tilespmem:$0x350];
	v10 =	vadd.f32 v26, v40;
	v0 =	vadd.f32 v4, v0  }
0xdb: {  	v46 =	vld [tilespmem:$0xE0];
	v2 =	vadd.f32 v11, v2;
	v9 =	vadd.f32 v20, v9  }
0xdc: {  	v47 =	vld [tilespmem:$0x160];
	v10 =	vadd.f32 v27, v10;
	v0 =	vadd.f32 v5, v0  }
0xdd: {  	v44 =	vld [tilespmem:$0x3D0];
	v2 =	vadd.f32 v12, v2;
	v9 =	vadd.f32 v21, v9  }
0xde: {  	v45 =	vld [tilespmem:$0x450];
	v10 =	vadd.f32 v28, v10;
	v3 =	vadd.f32 v3, v8  }
0xdf: {  	v48 =	vld [tilespmem:$0x1E0];
	v0 =	vadd.f32 v6, v0;
	v2 =	vadd.f32 v13, v2  }
0xe0: {  	v52 =	vld [tilespmem:$0x260];
	v9 =	vadd.f32 v22, v9;
	v10 =	vadd.f32 v29, v10  }
0xe1: {  	v53 =	vld [tilespmem:$0x1F0];
	v6 =	vadd.f32 v47, v46;
	v2 =	vadd.f32 v14, v2  }
0xe2: {  	v54 =	vld [tilespmem:$0x2E0];
	v3 =	vadd.f32 v41, v3;
	v0 =	vadd.f32 v7, v0  }
0xe3: {  	v55 =	vld [tilespmem:$0x270];
	v2 =	vadd.f32 v15, v2;
	v15 =	vadd.f32 v34, v50  }
0xe4: {  	v57 =	vld [tilespmem:$0x360];
	v9 =	vadd.f32 v23, v9;
	v10 =	vadd.f32 v30, v10  }
0xe5: {  	v58 =	vld [tilespmem:$0x2F0];
	v6 =	vadd.f32 v48, v6;
	v15 =	vadd.f32 v35, v15  }
0xe6: {  	v1 =	vld [tilespmem:$0x3C0];
	v7 =	vadd.f32 v53, v56;
	v3 =	vadd.f32 v42, v3  }
0xe7: {  	v60 =	vld [tilespmem:$0x370];
	v6 =	vadd.f32 v52, v6;
	v15 =	vadd.f32 v36, v15  }
0xe8: {  	v59 =	vld [tilespmem:$0x3E0];
	v10 =	vadd.f32 v31, v10;
	v7 =	vadd.f32 v55, v7  }
0xe9: {  	v61 =	vld [tilespmem:$0x460];
	v6 =	vadd.f32 v54, v6;
	v15 =	vadd.f32 v37, v15  }
0xea: {  	v62 =	vld [tilespmem:$0x3F0];
	v3 =	vadd.f32 v43, v3;
	v63 =	vadd.f32 v58, v7  }
0xeb: {  	[tilespmem:$0x880] =	vst v0;
	v0 =	vadd.f32 v57, v6;
	v1 =	vadd.f32 v1, v15  }
0xec: {  	[tilespmem:$0x890] =	vst v2;
	v2 =	vadd.f32 v44, v3;
	v3 =	vld [tilespmem:$0x470];
	v4 =	vadd.f32 v60, v63  }
0xed: {  	[tilespmem:$0x8A0] =	vst v9;
	v0 =	vadd.f32 v59, v0;
	v1 =	vadd.f32 v38, v1  }
0xee: {  	[tilespmem:$0x8B0] =	vst v10;
	v2 =	vadd.f32 v45, v2  }
0xef: {  	v0 =	vadd.f32 v61, v0;
	[tilespmem:$0x8C0] =	vst v1;
	v1 =	vadd.f32 v62, v4  }
0xf0: {  	[tilespmem:$0x8D0] =	vst v2  }
0xf1: {  	[tilespmem:$0x8E0] =	vst v0;
	v0 =	vadd.f32 v3, v1  }
.LBB2_4:
0xf2: {  	s3 =	sshll.u32 s1, $0x4;
	s30 =	simm.s32 $0x0  }
0xf3: {  	s4 =	simm.s32 $0x880;
	s31 =	simm.s32 $0x2;
	s2 =	sadd.s32 s2, s3;
	[tilespmem:$0x8F0] =	vst v0  }
0xf4: {  	[hbm4b:s2+s30] =	stream.linear.scatter [tilespmem:s4], [sflag:$0x2], $0x80, $0x38;
	[tilespmem:$0x900] =	vst v63  }
0xf5: {  	_ =	swait.ge [sflag:s31], $0x80  }
0xf6: {  	[sflag:s31] =	ssyncset.done $0x0  }
0xf7: {  	[sflag:s31] =	ssyncadd.s32 $0xFFFFFF80  }
.LBB2_5:
0xf8: {  	_ =	sfence.sel $0x180000  }
0xf9: {  	[bflag:$0x0] =	sbarrier.arrive $0xFFFF  }
0xfa: {  	p0 =	sne.s32 s1, $0x0;
	_ =	strace $0x90000047  }
0xfb: {  	s0 =	sadd.s32 @!p0 $0x100000, s0;
	[bflag:$0x2] =	sbarrier.arrive $0xFFFF  }
0xfc: {  	[sflag:s0] =	ssyncadd.tile.s32 @!p0 $0x1;
	_ =	shalt  }
.Lfunc_end2:
_tile_overlayer_lowered:
.L_overlay_start_2:
0xfd: {  	(tag) =	ssettag $0x2  }
0xfe: {  	s0 =	rddreg [dreg:$0x0];
	s2 =	stileid.u32  }
0xff: {  	s1 =	rddreg [dreg:$0x1];
	p0 =	sne.s32 s2, $0x0  }
0x100: {  	s3 =	rddreg [dreg:$0x2];
	[bflag:$0x3] =	sbarrier.arrive $0xFFFF;
	s2 =	simm.s32 @!p0 $0x1C02  }
0x101: {  	[timem:s3], [sflag:s2] =	dma.local @!p0 [hbm:s0], s1  }
0x102: {  	s0 =	simm.s32 @!p0 $0x2  }
0x103: {  	_ =	swait.ge @!p0 [sflag:s0], s1  }
0x104: {  	s1 =	ssub.s32 @!p0 $0x0, s1;
	[sflag:s0] =	ssyncset.done @!p0 $0x0  }
0x105: {  	[sflag:s0] =	ssyncadd.s32 @!p0 s1  }
0x106: {  	[bflag:$0x3] =	sbarrier.arrive $0xFFFF  }
0x107: {  	_ =	shalt  }

</sc_bundles>
